<compile_context>
chip_gen: v7x
topology: tpu7x:2x2x1
jax: 0.10.2.dev20260603
libtpu: 0.0.44.dev20260713+nightly
codegen_flags: <defaults>
</compile_context>

<pallas_src>
import jax
import jax.numpy as jnp
from jax import lax
from jax.experimental import pallas as pl
from jax.experimental.pallas import tpu as pltpu
from jax.experimental.pallas import tpu_sc as plsc

NUM_HEADS = 16
NREL = 66
TBL = NREL * NREL
TBLP = TBL + 4
N = 1025
RPT = 8
NRT = 128
VPR = 72
BW = VPR * 16
NC, NS, L = 2, 16, 16
HPC = NUM_HEADS // NC
COMB_WORDS = HPC * TBLP + 16


def _sc_body(bh_hbm, bw_hbm, hidx_hbm, widx_hbm, out_hbm,
             bh_v, bw_v, comb, hbuf, wbuf, obuf,
             sem_in, sem_out):
    cid = lax.axis_index("c")
    tid = lax.axis_index("s")

    pltpu.sync_copy(bh_hbm, bh_v)
    pltpu.sync_copy(bw_hbm, bw_v)
    hbase = cid * (HPC * 80)
    for hh in range(HPC):
        row = [bw_v[pl.ds(hbase + hh * 80 + v * 16, 16)] for v in range(5)]

        def build_a(a, _, hh=hh, row=row):
            s = plsc.load_gather(bh_v, [jnp.full((16,), hh * 80 + a, jnp.int32)
                                        + hbase])
            base = hh * TBLP + a * NREL
            for v in range(5):
                comb[pl.ds(base + v * 16, 16)] = s + row[v]
            return 0

        lax.fori_loop(0, NREL, build_a, 0)

    def do_tile(r0, nrows, first, prev_heads):
        cp1 = pltpu.async_copy(hidx_hbm.at[pl.ds(r0, nrows), pl.ds(0, BW)],
                               hbuf.at[pl.ds(0, nrows), :], sem_in)
        cp2 = pltpu.async_copy(widx_hbm.at[pl.ds(r0, nrows), pl.ds(0, BW)],
                               wbuf.at[pl.ds(0, nrows), :], sem_in)
        cp1.wait()
        cp2.wait()

        @pl.when(jnp.logical_not(first))
        def _drain():
            pltpu.make_async_copy(
                out_hbm.at[pl.ds(0, RPT), pl.ds(0, HPC), pl.ds(0, BW)],
                obuf, sem_out).wait()

        def gbody(v, _):
            off = v * 16
            cvs = []
            for r in range(nrows):
                c = hbuf[r, pl.ds(off, 16)] * NREL + wbuf[r, pl.ds(off, 16)]
                cvs.append(jnp.minimum(jnp.maximum(c, 0), TBL - 1))
            pgs = [plsc.load_gather(comb.at[pl.ds(hh * TBLP, TBL)], [cvs[0]])
                   for hh in range(HPC)]
            for r in range(1, nrows):
                ngs = []
                for hh in range(HPC):
                    g = plsc.load_gather(comb.at[pl.ds(hh * TBLP, TBL)],
                                         [cvs[r]])
                    obuf[r - 1, hh, pl.ds(off, 16)] = pgs[hh]
                    ngs.append(g)
                pgs = ngs
            for hh in range(HPC):
                obuf[nrows - 1, hh, pl.ds(off, 16)] = pgs[hh]
            return 0

        lax.fori_loop(0, VPR, gbody, 0)

        pltpu.async_copy(
            obuf.at[pl.ds(0, nrows), :, :],
            out_hbm.at[pl.ds(r0, nrows), pl.ds(cid * HPC, HPC), pl.ds(0, BW)],
            sem_out)

    def tile_body(i, _):
        do_tile((tid * 8 + i) * RPT, RPT, i == 0, HPC)
        return 0

    lax.fori_loop(0, 8, tile_body, 0)

    pltpu.make_async_copy(out_hbm.at[pl.ds(0, RPT), pl.ds(0, HPC), pl.ds(0, BW)],
                          obuf, sem_out).wait()

    @pl.when(tid == NS - 1)
    def _tail():
        do_tile(NRT * RPT, 1, True, 0)
        pltpu.make_async_copy(
            out_hbm.at[pl.ds(0, 1), pl.ds(0, HPC), pl.ds(0, BW)],
            obuf.at[pl.ds(0, 1), :, :], sem_out).wait()


def kernel(bias_high, bias_width, h_index, w_index):
    bh_t = jnp.zeros((NUM_HEADS, 80), jnp.float32).at[:, :NREL].set(
        bias_high.T).reshape(NUM_HEADS * 80)
    bw_t = jnp.zeros((NUM_HEADS, 80), jnp.float32).at[:, :NREL].set(
        bias_width.T).reshape(NUM_HEADS * 80)

    run = pl.kernel(
        _sc_body,
        out_type=jax.ShapeDtypeStruct((N, NUM_HEADS, N), jnp.float32),
        mesh=plsc.VectorSubcoreMesh(core_axis_name="c", subcore_axis_name="s",
                                    num_cores=NC, num_subcores=NS),
        compiler_params=pltpu.CompilerParams(use_tc_tiling_on_sc=True,
                                             needs_layout_passes=False),
        scratch_types=[
            pltpu.VMEM((NUM_HEADS * 80,), jnp.float32),
            pltpu.VMEM((NUM_HEADS * 80,), jnp.float32),
            pltpu.VMEM((COMB_WORDS,), jnp.float32),
            pltpu.VMEM((RPT, BW), jnp.int32),
            pltpu.VMEM((RPT, BW), jnp.int32),
            pltpu.VMEM((RPT, HPC, BW), jnp.float32),
            pltpu.SemaphoreType.DMA,
            pltpu.SemaphoreType.DMA,
        ],
    )
    out_ihj = run(bh_t, bw_t, h_index.astype(jnp.int32),
                  w_index.astype(jnp.int32))
    return jnp.transpose(out_ihj, (1, 0, 2))

# --- scband reference (transcript-rebuilt; emitter-appended) ---
"""Pipeline reference for scband-decoupled-relative-position-bias-9577777070745 (READ-ONLY COPY).

The authoritative reference and input builder live on the scoring server;
editing this copy changes nothing except your own understanding.
"""

import jax, jax.numpy as jnp
import numpy as np

WINDOW = (32, 32)
NUM_HEADS = 16


def _mask_1d_rel_pos_index(seq_len):
    index = np.arange(seq_len)
    return index.reshape(1, seq_len) - index.reshape(seq_len, 1) + seq_len - 1


def _add_cls_to_index_matrix(index, num_tokens, offset):
    index = np.ascontiguousarray(index).reshape(num_tokens, num_tokens)
    new_index = np.zeros((num_tokens + 1, num_tokens + 1), dtype=index.dtype)
    new_index[1:, 1:] = index
    new_index[0, 0:] = offset
    new_index[0:, 0] = offset + 1
    new_index[0, 0] = offset + 2
    return new_index


def setup_inputs(seed: int = 0) -> dict:
    key = jax.random.key(seed)
    k1, k2 = jax.random.split(key)
    wh, ww = WINDOW
    num_tokens = wh * ww
    num_rel_dist = (2 * wh + 2, 2 * ww + 2)
    # learned parameters (initialized as small randn so the op is nontrivial)
    bias_high = jax.random.normal(k1, (num_rel_dist[0], NUM_HEADS), dtype=jnp.float32) * 0.02
    bias_width = jax.random.normal(k2, (num_rel_dist[1], NUM_HEADS), dtype=jnp.float32) * 0.02
    # precomputed integer index buffers (match torch buffer construction exactly)
    h_index = _mask_1d_rel_pos_index(wh).reshape(wh, 1, wh, 1)
    h_index = np.broadcast_to(h_index, (wh, ww, wh, ww))
    h_index = _add_cls_to_index_matrix(h_index, num_tokens, 2 * wh - 1)
    w_index = _mask_1d_rel_pos_index(ww).reshape(1, ww, 1, ww)
    w_index = np.broadcast_to(w_index, (wh, ww, wh, ww))
    w_index = _add_cls_to_index_matrix(w_index, num_tokens, 2 * ww - 1)
    return {
        'bias_high': bias_high,
        'bias_width': bias_width,
        'h_index': jnp.asarray(h_index, dtype=jnp.int64 if jax.config.jax_enable_x64 else jnp.int32),
        'w_index': jnp.asarray(w_index, dtype=jnp.int64 if jax.config.jax_enable_x64 else jnp.int32),
    }


def reference(bias_high, bias_width, h_index, w_index):
    # F.embedding(index, weight) == weight[index] -> gather along axis 0
    rpb = jnp.take(bias_high, h_index, axis=0) + jnp.take(bias_width, w_index, axis=0)
    # [num_tokens+1, num_tokens+1, num_heads] -> [num_heads, num_tokens+1, num_tokens+1]
    return jnp.transpose(rpb, (2, 0, 1))

if __name__ == "__main__":
    import jax
    _d = setup_inputs()
    print(jax.jit(kernel)(*tuple(_d.values())))

</pallas_src>

<mosaic_0001>
#map = affine_map<(d0, d1) -> (0)>
#map1 = affine_map<(d0, d1) -> (0, 0)>
#map2 = affine_map<(d0, d1) -> (0, 0, 0)>
module attributes {stable_mosaic.version = 14 : i64} {
  func.func @_sc_body(%arg0: i32, %arg1: i32, %arg2: memref<1280xf32, #tpu.memory_space<hbm>>, %arg3: memref<1280xf32, #tpu.memory_space<hbm>>, %arg4: memref<1025x1025xi32, #tpu.memory_space<hbm>>, %arg5: memref<1025x1025xi32, #tpu.memory_space<hbm>>, %arg6: memref<1025x16x1025xf32, #tpu.memory_space<hbm>>, %arg7: memref<1280xf32, #tpu.memory_space<vmem>>, %arg8: memref<1280xf32, #tpu.memory_space<vmem>>, %arg9: memref<34896xf32, #tpu.memory_space<vmem>>, %arg10: memref<8x1152xi32, #tpu.memory_space<vmem>>, %arg11: memref<8x1152xi32, #tpu.memory_space<vmem>>, %arg12: memref<8x8x1152xf32, #tpu.memory_space<vmem>>, %arg13: memref<!tpu.dma_semaphore, #tpu.memory_space<semaphore_mem>>, %arg14: memref<!tpu.dma_semaphore, #tpu.memory_space<semaphore_mem>>) attributes {dimension_semantics = [#tpu.dimension_semantics<core_parallel>, #tpu.dimension_semantics<subcore_parallel>], iteration_bounds = array<i64: 2, 16>, scalar_prefetch = 0 : i64, scratch_operands = 8 : i64, tpu.core_type = #tpu.core_type<sc_vector_subcore>, window_params = [{transform_indices = #map}, {transform_indices = #map}, {transform_indices = #map1}, {transform_indices = #map1}, {transform_indices = #map2}]} {
    "tpu.region"() ({
      %run_scoped3A = tpu.sem_alloc : memref<!tpu.dma_semaphore, #tpu.memory_space<semaphore_mem>>
      tpu.enqueue_dma source(%arg2 : memref<1280xf32, #tpu.memory_space<hbm>>) target(%arg7 : memref<1280xf32, #tpu.memory_space<vmem>>) target_semaphore(%run_scoped3A : memref<!tpu.dma_semaphore, #tpu.memory_space<semaphore_mem>>)
      tpu.wait_dma2 semaphore(%run_scoped3A : memref<!tpu.dma_semaphore, #tpu.memory_space<semaphore_mem>>) src(%arg2 : memref<1280xf32, #tpu.memory_space<hbm>>) dst(%arg7 : memref<1280xf32, #tpu.memory_space<vmem>>)
      tpu.yield
    }) : () -> ()
    "tpu.region"() ({
      %run_scoped3A = tpu.sem_alloc : memref<!tpu.dma_semaphore, #tpu.memory_space<semaphore_mem>>
      tpu.enqueue_dma source(%arg3 : memref<1280xf32, #tpu.memory_space<hbm>>) target(%arg8 : memref<1280xf32, #tpu.memory_space<vmem>>) target_semaphore(%run_scoped3A : memref<!tpu.dma_semaphore, #tpu.memory_space<semaphore_mem>>)
      tpu.wait_dma2 semaphore(%run_scoped3A : memref<!tpu.dma_semaphore, #tpu.memory_space<semaphore_mem>>) src(%arg3 : memref<1280xf32, #tpu.memory_space<hbm>>) dst(%arg8 : memref<1280xf32, #tpu.memory_space<vmem>>)
      tpu.yield
    }) : () -> ()
    %mul3A = arith.constant 640 : i32
    %mul3A_0 = arith.muli %arg0, %mul3A : i32
    %add3A = arith.constant 0 : i32
    %add3A_1 = arith.addi %mul3A_0, %add3A : i32
    %add3A_2 = arith.constant 0 : i32
    %add3A_3 = arith.addi %add3A_1, %add3A_2 : i32
    %get3A = arith.index_cast %add3A_3 : i32 to index
    %get3A_4 = tpu.vector_load %arg8[%get3A] {strides = array<i32>} : memref<1280xf32, #tpu.memory_space<vmem>>, vector<16xf32>,
    %add3A_5 = arith.constant 0 : i32
    %add3A_6 = arith.addi %mul3A_0, %add3A_5 : i32
    %add3A_7 = arith.constant 16 : i32
    %add3A_8 = arith.addi %add3A_6, %add3A_7 : i32
    %get3A_9 = arith.index_cast %add3A_8 : i32 to index
    %get3A_10 = tpu.vector_load %arg8[%get3A_9] {strides = array<i32>} : memref<1280xf32, #tpu.memory_space<vmem>>, vector<16xf32>,
    %add3A_11 = arith.constant 0 : i32
    %add3A_12 = arith.addi %mul3A_0, %add3A_11 : i32
    %add3A_13 = arith.constant 32 : i32
    %add3A_14 = arith.addi %add3A_12, %add3A_13 : i32
    %get3A_15 = arith.index_cast %add3A_14 : i32 to index
    %get3A_16 = tpu.vector_load %arg8[%get3A_15] {strides = array<i32>} : memref<1280xf32, #tpu.memory_space<vmem>>, vector<16xf32>,
    %add3A_17 = arith.constant 0 : i32
    %add3A_18 = arith.addi %mul3A_0, %add3A_17 : i32
    %add3A_19 = arith.constant 48 : i32
    %add3A_20 = arith.addi %add3A_18, %add3A_19 : i32
    %get3A_21 = arith.index_cast %add3A_20 : i32 to index
    %get3A_22 = tpu.vector_load %arg8[%get3A_21] {strides = array<i32>} : memref<1280xf32, #tpu.memory_space<vmem>>, vector<16xf32>,
    %add3A_23 = arith.constant 0 : i32
    %add3A_24 = arith.addi %mul3A_0, %add3A_23 : i32
    %add3A_25 = arith.constant 64 : i32
    %add3A_26 = arith.addi %add3A_24, %add3A_25 : i32
    %get3A_27 = arith.index_cast %add3A_26 : i32 to index
    %get3A_28 = tpu.vector_load %arg8[%get3A_27] {strides = array<i32>} : memref<1280xf32, #tpu.memory_space<vmem>>, vector<16xf32>,
    %scan3A = arith.constant 0 : i32
    %scan3A_29 = arith.constant 0 : i32
    %scan3A_30 = arith.constant 66 : i32
    %scan3A_31 = arith.addi %scan3A_29, %scan3A_30 : i32
    %scan3A_32 = arith.constant 1 : i32
    %scan3A_33 = scf.for %scan3A_310 = %scan3A_29 to %scan3A_31 step %scan3A_32 iter_args(%scan3A_311 = %scan3A) -> (i32)  : i32 {
      %add3A_312 = arith.constant 0 : i32
      %add3A_313 = arith.addi %add3A_312, %scan3A_310 : i32
      %broadcast_in_dim3A = vector.broadcast %add3A_313 : i32 to vector<16xi32>
      %add3A_314 = vector.broadcast %mul3A_0 : i32 to vector<16xi32>
      %add3A_315 = arith.addi %broadcast_in_dim3A, %add3A_314 : vector<16xi32>
      %gather3A = tpu.vector_load_idx %arg7[%add3A_315] : memref<1280xf32, #tpu.memory_space<vmem>>[vector<16xi32>], vector<16xf32>,
      %mul3A_316 = arith.constant 66 : i32
      %mul3A_317 = arith.muli %scan3A_310, %mul3A_316 : i32
      %add3A_318 = arith.constant 0 : i32
      %add3A_319 = arith.addi %add3A_318, %mul3A_317 : i32
      %add3A_320 = arith.addf %gather3A, %get3A_4 : vector<16xf32>
      %add3A_321 = arith.constant 0 : i32
      %add3A_322 = arith.addi %add3A_319, %add3A_321 : i32
      %swap3A = arith.index_cast %add3A_322 : i32 to index
      %swap3A_323 = tpu.vector_load %arg9[%swap3A] {strides = array<i32>} : memref<34896xf32, #tpu.memory_space<vmem>>, vector<16xf32>,
      tpu.vector_store %arg9[%swap3A], %add3A_320 {strides = array<i32>} : memref<34896xf32, #tpu.memory_space<vmem>>, vector<16xf32>,
      %add3A_324 = arith.addf %gather3A, %get3A_10 : vector<16xf32>
      %add3A_325 = arith.constant 16 : i32
      %add3A_326 = arith.addi %add3A_319, %add3A_325 : i32
      %swap3A_327 = arith.index_cast %add3A_326 : i32 to index
      %swap3A_328 = tpu.vector_load %arg9[%swap3A_327] {strides = array<i32>} : memref<34896xf32, #tpu.memory_space<vmem>>, vector<16xf32>,
      tpu.vector_store %arg9[%swap3A_327], %add3A_324 {strides = array<i32>} : memref<34896xf32, #tpu.memory_space<vmem>>, vector<16xf32>,
      %add3A_329 = arith.addf %gather3A, %get3A_16 : vector<16xf32>
      %add3A_330 = arith.constant 32 : i32
      %add3A_331 = arith.addi %add3A_319, %add3A_330 : i32
      %swap3A_332 = arith.index_cast %add3A_331 : i32 to index
      %swap3A_333 = tpu.vector_load %arg9[%swap3A_332] {strides = array<i32>} : memref<34896xf32, #tpu.memory_space<vmem>>, vector<16xf32>,
      tpu.vector_store %arg9[%swap3A_332], %add3A_329 {strides = array<i32>} : memref<34896xf32, #tpu.memory_space<vmem>>, vector<16xf32>,
      %add3A_334 = arith.addf %gather3A, %get3A_22 : vector<16xf32>
      %add3A_335 = arith.constant 48 : i32
      %add3A_336 = arith.addi %add3A_319, %add3A_335 : i32
      %swap3A_337 = arith.index_cast %add3A_336 : i32 to index
      %swap3A_338 = tpu.vector_load %arg9[%swap3A_337] {strides = array<i32>} : memref<34896xf32, #tpu.memory_space<vmem>>, vector<16xf32>,
      tpu.vector_store %arg9[%swap3A_337], %add3A_334 {strides = array<i32>} : memref<34896xf32, #tpu.memory_space<vmem>>, vector<16xf32>,
      %add3A_339 = arith.addf %gather3A, %get3A_28 : vector<16xf32>
      %add3A_340 = arith.constant 64 : i32
      %add3A_341 = arith.addi %add3A_319, %add3A_340 : i32
      %swap3A_342 = arith.index_cast %add3A_341 : i32 to index
      %swap3A_343 = tpu.vector_load %arg9[%swap3A_342] {strides = array<i32>} : memref<34896xf32, #tpu.memory_space<vmem>>, vector<16xf32>,
      tpu.vector_store %arg9[%swap3A_342], %add3A_339 {strides = array<i32>} : memref<34896xf32, #tpu.memory_space<vmem>>, vector<16xf32>,
      %scan3A_344 = arith.constant 0 : i32
      scf.yield %scan3A_344 : i32
    }
    %scan3A_34 = arith.constant 66 : i32
    %add3A_35 = arith.constant 80 : i32
    %add3A_36 = arith.addi %mul3A_0, %add3A_35 : i32
    %add3A_37 = arith.constant 0 : i32
    %add3A_38 = arith.addi %add3A_36, %add3A_37 : i32
    %get3A_39 = arith.index_cast %add3A_38 : i32 to index
    %get3A_40 = tpu.vector_load %arg8[%get3A_39] {strides = array<i32>} : memref<1280xf32, #tpu.memory_space<vmem>>, vector<16xf32>,
    %add3A_41 = arith.constant 80 : i32
    %add3A_42 = arith.addi %mul3A_0, %add3A_41 : i32
    %add3A_43 = arith.constant 16 : i32
    %add3A_44 = arith.addi %add3A_42, %add3A_43 : i32
    %get3A_45 = arith.index_cast %add3A_44 : i32 to index
    %get3A_46 = tpu.vector_load %arg8[%get3A_45] {strides = array<i32>} : memref<1280xf32, #tpu.memory_space<vmem>>, vector<16xf32>,
    %add3A_47 = arith.constant 80 : i32
    %add3A_48 = arith.addi %mul3A_0, %add3A_47 : i32
    %add3A_49 = arith.constant 32 : i32
    %add3A_50 = arith.addi %add3A_48, %add3A_49 : i32
    %get3A_51 = arith.index_cast %add3A_50 : i32 to index
    %get3A_52 = tpu.vector_load %arg8[%get3A_51] {strides = array<i32>} : memref<1280xf32, #tpu.memory_space<vmem>>, vector<16xf32>,
    %add3A_53 = arith.constant 80 : i32
    %add3A_54 = arith.addi %mul3A_0, %add3A_53 : i32
    %add3A_55 = arith.constant 48 : i32
    %add3A_56 = arith.addi %add3A_54, %add3A_55 : i32
    %get3A_57 = arith.index_cast %add3A_56 : i32 to index
    %get3A_58 = tpu.vector_load %arg8[%get3A_57] {strides = array<i32>} : memref<1280xf32, #tpu.memory_space<vmem>>, vector<16xf32>,
    %add3A_59 = arith.constant 80 : i32
    %add3A_60 = arith.addi %mul3A_0, %add3A_59 : i32
    %add3A_61 = arith.constant 64 : i32
    %add3A_62 = arith.addi %add3A_60, %add3A_61 : i32
    %get3A_63 = arith.index_cast %add3A_62 : i32 to index
    %get3A_64 = tpu.vector_load %arg8[%get3A_63] {strides = array<i32>} : memref<1280xf32, #tpu.memory_space<vmem>>, vector<16xf32>,
    %scan3A_65 = arith.constant 0 : i32
    %scan3A_66 = arith.constant 0 : i32
    %scan3A_67 = arith.constant 66 : i32
    %scan3A_68 = arith.addi %scan3A_66, %scan3A_67 : i32
    %scan3A_69 = arith.constant 1 : i32
    %scan3A_70 = scf.for %scan3A_310 = %scan3A_66 to %scan3A_68 step %scan3A_69 iter_args(%scan3A_311 = %scan3A_65) -> (i32)  : i32 {
      %add3A_312 = arith.constant 80 : i32
      %add3A_313 = arith.addi %add3A_312, %scan3A_310 : i32
      %broadcast_in_dim3A = vector.broadcast %add3A_313 : i32 to vector<16xi32>
      %add3A_314 = vector.broadcast %mul3A_0 : i32 to vector<16xi32>
      %add3A_315 = arith.addi %broadcast_in_dim3A, %add3A_314 : vector<16xi32>
      %gather3A = tpu.vector_load_idx %arg7[%add3A_315] : memref<1280xf32, #tpu.memory_space<vmem>>[vector<16xi32>], vector<16xf32>,
      %mul3A_316 = arith.constant 66 : i32
      %mul3A_317 = arith.muli %scan3A_310, %mul3A_316 : i32
      %add3A_318 = arith.constant 4360 : i32
      %add3A_319 = arith.addi %add3A_318, %mul3A_317 : i32
      %add3A_320 = arith.addf %gather3A, %get3A_40 : vector<16xf32>
      %add3A_321 = arith.constant 0 : i32
      %add3A_322 = arith.addi %add3A_319, %add3A_321 : i32
      %swap3A = arith.index_cast %add3A_322 : i32 to index
      %swap3A_323 = tpu.vector_load %arg9[%swap3A] {strides = array<i32>} : memref<34896xf32, #tpu.memory_space<vmem>>, vector<16xf32>,
      tpu.vector_store %arg9[%swap3A], %add3A_320 {strides = array<i32>} : memref<34896xf32, #tpu.memory_space<vmem>>, vector<16xf32>,
      %add3A_324 = arith.addf %gather3A, %get3A_46 : vector<16xf32>
      %add3A_325 = arith.constant 16 : i32
      %add3A_326 = arith.addi %add3A_319, %add3A_325 : i32
      %swap3A_327 = arith.index_cast %add3A_326 : i32 to index
      %swap3A_328 = tpu.vector_load %arg9[%swap3A_327] {strides = array<i32>} : memref<34896xf32, #tpu.memory_space<vmem>>, vector<16xf32>,
      tpu.vector_store %arg9[%swap3A_327], %add3A_324 {strides = array<i32>} : memref<34896xf32, #tpu.memory_space<vmem>>, vector<16xf32>,
      %add3A_329 = arith.addf %gather3A, %get3A_52 : vector<16xf32>
      %add3A_330 = arith.constant 32 : i32
      %add3A_331 = arith.addi %add3A_319, %add3A_330 : i32
      %swap3A_332 = arith.index_cast %add3A_331 : i32 to index
      %swap3A_333 = tpu.vector_load %arg9[%swap3A_332] {strides = array<i32>} : memref<34896xf32, #tpu.memory_space<vmem>>, vector<16xf32>,
      tpu.vector_store %arg9[%swap3A_332], %add3A_329 {strides = array<i32>} : memref<34896xf32, #tpu.memory_space<vmem>>, vector<16xf32>,
      %add3A_334 = arith.addf %gather3A, %get3A_58 : vector<16xf32>
      %add3A_335 = arith.constant 48 : i32
      %add3A_336 = arith.addi %add3A_319, %add3A_335 : i32
      %swap3A_337 = arith.index_cast %add3A_336 : i32 to index
      %swap3A_338 = tpu.vector_load %arg9[%swap3A_337] {strides = array<i32>} : memref<34896xf32, #tpu.memory_space<vmem>>, vector<16xf32>,
      tpu.vector_store %arg9[%swap3A_337], %add3A_334 {strides = array<i32>} : memref<34896xf32, #tpu.memory_space<vmem>>, vector<16xf32>,
      %add3A_339 = arith.addf %gather3A, %get3A_64 : vector<16xf32>
      %add3A_340 = arith.constant 64 : i32
      %add3A_341 = arith.addi %add3A_319, %add3A_340 : i32
      %swap3A_342 = arith.index_cast %add3A_341 : i32 to index
      %swap3A_343 = tpu.vector_load %arg9[%swap3A_342] {strides = array<i32>} : memref<34896xf32, #tpu.memory_space<vmem>>, vector<16xf32>,
      tpu.vector_store %arg9[%swap3A_342], %add3A_339 {strides = array<i32>} : memref<34896xf32, #tpu.memory_space<vmem>>, vector<16xf32>,
      %scan3A_344 = arith.constant 0 : i32
      scf.yield %scan3A_344 : i32
    }
    %scan3A_71 = arith.constant 66 : i32
    %add3A_72 = arith.constant 160 : i32
    %add3A_73 = arith.addi %mul3A_0, %add3A_72 : i32
    %add3A_74 = arith.constant 0 : i32
    %add3A_75 = arith.addi %add3A_73, %add3A_74 : i32
    %get3A_76 = arith.index_cast %add3A_75 : i32 to index
    %get3A_77 = tpu.vector_load %arg8[%get3A_76] {strides = array<i32>} : memref<1280xf32, #tpu.memory_space<vmem>>, vector<16xf32>,
    %add3A_78 = arith.constant 160 : i32
    %add3A_79 = arith.addi %mul3A_0, %add3A_78 : i32
    %add3A_80 = arith.constant 16 : i32
    %add3A_81 = arith.addi %add3A_79, %add3A_80 : i32
    %get3A_82 = arith.index_cast %add3A_81 : i32 to index
    %get3A_83 = tpu.vector_load %arg8[%get3A_82] {strides = array<i32>} : memref<1280xf32, #tpu.memory_space<vmem>>, vector<16xf32>,
    %add3A_84 = arith.constant 160 : i32
    %add3A_85 = arith.addi %mul3A_0, %add3A_84 : i32
    %add3A_86 = arith.constant 32 : i32
    %add3A_87 = arith.addi %add3A_85, %add3A_86 : i32
    %get3A_88 = arith.index_cast %add3A_87 : i32 to index
    %get3A_89 = tpu.vector_load %arg8[%get3A_88] {strides = array<i32>} : memref<1280xf32, #tpu.memory_space<vmem>>, vector<16xf32>,
    %add3A_90 = arith.constant 160 : i32
    %add3A_91 = arith.addi %mul3A_0, %add3A_90 : i32
    %add3A_92 = arith.constant 48 : i32
    %add3A_93 = arith.addi %add3A_91, %add3A_92 : i32
    %get3A_94 = arith.index_cast %add3A_93 : i32 to index
    %get3A_95 = tpu.vector_load %arg8[%get3A_94] {strides = array<i32>} : memref<1280xf32, #tpu.memory_space<vmem>>, vector<16xf32>,
    %add3A_96 = arith.constant 160 : i32
    %add3A_97 = arith.addi %mul3A_0, %add3A_96 : i32
    %add3A_98 = arith.constant 64 : i32
    %add3A_99 = arith.addi %add3A_97, %add3A_98 : i32
    %get3A_100 = arith.index_cast %add3A_99 : i32 to index
    %get3A_101 = tpu.vector_load %arg8[%get3A_100] {strides = array<i32>} : memref<1280xf32, #tpu.memory_space<vmem>>, vector<16xf32>,
    %scan3A_102 = arith.constant 0 : i32
    %scan3A_103 = arith.constant 0 : i32
    %scan3A_104 = arith.constant 66 : i32
    %scan3A_105 = arith.addi %scan3A_103, %scan3A_104 : i32
    %scan3A_106 = arith.constant 1 : i32
    %scan3A_107 = scf.for %scan3A_310 = %scan3A_103 to %scan3A_105 step %scan3A_106 iter_args(%scan3A_311 = %scan3A_102) -> (i32)  : i32 {
      %add3A_312 = arith.constant 160 : i32
      %add3A_313 = arith.addi %add3A_312, %scan3A_310 : i32
      %broadcast_in_dim3A = vector.broadcast %add3A_313 : i32 to vector<16xi32>
      %add3A_314 = vector.broadcast %mul3A_0 : i32 to vector<16xi32>
      %add3A_315 = arith.addi %broadcast_in_dim3A, %add3A_314 : vector<16xi32>
      %gather3A = tpu.vector_load_idx %arg7[%add3A_315] : memref<1280xf32, #tpu.memory_space<vmem>>[vector<16xi32>], vector<16xf32>,
      %mul3A_316 = arith.constant 66 : i32
      %mul3A_317 = arith.muli %scan3A_310, %mul3A_316 : i32
      %add3A_318 = arith.constant 8720 : i32
      %add3A_319 = arith.addi %add3A_318, %mul3A_317 : i32
      %add3A_320 = arith.addf %gather3A, %get3A_77 : vector<16xf32>
      %add3A_321 = arith.constant 0 : i32
      %add3A_322 = arith.addi %add3A_319, %add3A_321 : i32
      %swap3A = arith.index_cast %add3A_322 : i32 to index
      %swap3A_323 = tpu.vector_load %arg9[%swap3A] {strides = array<i32>} : memref<34896xf32, #tpu.memory_space<vmem>>, vector<16xf32>,
      tpu.vector_store %arg9[%swap3A], %add3A_320 {strides = array<i32>} : memref<34896xf32, #tpu.memory_space<vmem>>, vector<16xf32>,
      %add3A_324 = arith.addf %gather3A, %get3A_83 : vector<16xf32>
      %add3A_325 = arith.constant 16 : i32
      %add3A_326 = arith.addi %add3A_319, %add3A_325 : i32
      %swap3A_327 = arith.index_cast %add3A_326 : i32 to index
      %swap3A_328 = tpu.vector_load %arg9[%swap3A_327] {strides = array<i32>} : memref<34896xf32, #tpu.memory_space<vmem>>, vector<16xf32>,
      tpu.vector_store %arg9[%swap3A_327], %add3A_324 {strides = array<i32>} : memref<34896xf32, #tpu.memory_space<vmem>>, vector<16xf32>,
      %add3A_329 = arith.addf %gather3A, %get3A_89 : vector<16xf32>
      %add3A_330 = arith.constant 32 : i32
      %add3A_331 = arith.addi %add3A_319, %add3A_330 : i32
      %swap3A_332 = arith.index_cast %add3A_331 : i32 to index
      %swap3A_333 = tpu.vector_load %arg9[%swap3A_332] {strides = array<i32>} : memref<34896xf32, #tpu.memory_space<vmem>>, vector<16xf32>,
      tpu.vector_store %arg9[%swap3A_332], %add3A_329 {strides = array<i32>} : memref<34896xf32, #tpu.memory_space<vmem>>, vector<16xf32>,
      %add3A_334 = arith.addf %gather3A, %get3A_95 : vector<16xf32>
      %add3A_335 = arith.constant 48 : i32
      %add3A_336 = arith.addi %add3A_319, %add3A_335 : i32
      %swap3A_337 = arith.index_cast %add3A_336 : i32 to index
      %swap3A_338 = tpu.vector_load %arg9[%swap3A_337] {strides = array<i32>} : memref<34896xf32, #tpu.memory_space<vmem>>, vector<16xf32>,
      tpu.vector_store %arg9[%swap3A_337], %add3A_334 {strides = array<i32>} : memref<34896xf32, #tpu.memory_space<vmem>>, vector<16xf32>,
      %add3A_339 = arith.addf %gather3A, %get3A_101 : vector<16xf32>
      %add3A_340 = arith.constant 64 : i32
      %add3A_341 = arith.addi %add3A_319, %add3A_340 : i32
      %swap3A_342 = arith.index_cast %add3A_341 : i32 to index
      %swap3A_343 = tpu.vector_load %arg9[%swap3A_342] {strides = array<i32>} : memref<34896xf32, #tpu.memory_space<vmem>>, vector<16xf32>,
      tpu.vector_store %arg9[%swap3A_342], %add3A_339 {strides = array<i32>} : memref<34896xf32, #tpu.memory_space<vmem>>, vector<16xf32>,
      %scan3A_344 = arith.constant 0 : i32
      scf.yield %scan3A_344 : i32
    }
    %scan3A_108 = arith.constant 66 : i32
    %add3A_109 = arith.constant 240 : i32
    %add3A_110 = arith.addi %mul3A_0, %add3A_109 : i32
    %add3A_111 = arith.constant 0 : i32
    %add3A_112 = arith.addi %add3A_110, %add3A_111 : i32
    %get3A_113 = arith.index_cast %add3A_112 : i32 to index
    %get3A_114 = tpu.vector_load %arg8[%get3A_113] {strides = array<i32>} : memref<1280xf32, #tpu.memory_space<vmem>>, vector<16xf32>,
    %add3A_115 = arith.constant 240 : i32
    %add3A_116 = arith.addi %mul3A_0, %add3A_115 : i32
    %add3A_117 = arith.constant 16 : i32
    %add3A_118 = arith.addi %add3A_116, %add3A_117 : i32
    %get3A_119 = arith.index_cast %add3A_118 : i32 to index
    %get3A_120 = tpu.vector_load %arg8[%get3A_119] {strides = array<i32>} : memref<1280xf32, #tpu.memory_space<vmem>>, vector<16xf32>,
    %add3A_121 = arith.constant 240 : i32
    %add3A_122 = arith.addi %mul3A_0, %add3A_121 : i32
    %add3A_123 = arith.constant 32 : i32
    %add3A_124 = arith.addi %add3A_122, %add3A_123 : i32
    %get3A_125 = arith.index_cast %add3A_124 : i32 to index
    %get3A_126 = tpu.vector_load %arg8[%get3A_125] {strides = array<i32>} : memref<1280xf32, #tpu.memory_space<vmem>>, vector<16xf32>,
    %add3A_127 = arith.constant 240 : i32
    %add3A_128 = arith.addi %mul3A_0, %add3A_127 : i32
    %add3A_129 = arith.constant 48 : i32
    %add3A_130 = arith.addi %add3A_128, %add3A_129 : i32
    %get3A_131 = arith.index_cast %add3A_130 : i32 to index
    %get3A_132 = tpu.vector_load %arg8[%get3A_131] {strides = array<i32>} : memref<1280xf32, #tpu.memory_space<vmem>>, vector<16xf32>,
    %add3A_133 = arith.constant 240 : i32
    %add3A_134 = arith.addi %mul3A_0, %add3A_133 : i32
    %add3A_135 = arith.constant 64 : i32
    %add3A_136 = arith.addi %add3A_134, %add3A_135 : i32
    %get3A_137 = arith.index_cast %add3A_136 : i32 to index
    %get3A_138 = tpu.vector_load %arg8[%get3A_137] {strides = array<i32>} : memref<1280xf32, #tpu.memory_space<vmem>>, vector<16xf32>,
    %scan3A_139 = arith.constant 0 : i32
    %scan3A_140 = arith.constant 0 : i32
    %scan3A_141 = arith.constant 66 : i32
    %scan3A_142 = arith.addi %scan3A_140, %scan3A_141 : i32
    %scan3A_143 = arith.constant 1 : i32
    %scan3A_144 = scf.for %scan3A_310 = %scan3A_140 to %scan3A_142 step %scan3A_143 iter_args(%scan3A_311 = %scan3A_139) -> (i32)  : i32 {
      %add3A_312 = arith.constant 240 : i32
      %add3A_313 = arith.addi %add3A_312, %scan3A_310 : i32
      %broadcast_in_dim3A = vector.broadcast %add3A_313 : i32 to vector<16xi32>
      %add3A_314 = vector.broadcast %mul3A_0 : i32 to vector<16xi32>
      %add3A_315 = arith.addi %broadcast_in_dim3A, %add3A_314 : vector<16xi32>
      %gather3A = tpu.vector_load_idx %arg7[%add3A_315] : memref<1280xf32, #tpu.memory_space<vmem>>[vector<16xi32>], vector<16xf32>,
      %mul3A_316 = arith.constant 66 : i32
      %mul3A_317 = arith.muli %scan3A_310, %mul3A_316 : i32
      %add3A_318 = arith.constant 13080 : i32
      %add3A_319 = arith.addi %add3A_318, %mul3A_317 : i32
      %add3A_320 = arith.addf %gather3A, %get3A_114 : vector<16xf32>
      %add3A_321 = arith.constant 0 : i32
      %add3A_322 = arith.addi %add3A_319, %add3A_321 : i32
      %swap3A = arith.index_cast %add3A_322 : i32 to index
      %swap3A_323 = tpu.vector_load %arg9[%swap3A] {strides = array<i32>} : memref<34896xf32, #tpu.memory_space<vmem>>, vector<16xf32>,
      tpu.vector_store %arg9[%swap3A], %add3A_320 {strides = array<i32>} : memref<34896xf32, #tpu.memory_space<vmem>>, vector<16xf32>,
      %add3A_324 = arith.addf %gather3A, %get3A_120 : vector<16xf32>
      %add3A_325 = arith.constant 16 : i32
      %add3A_326 = arith.addi %add3A_319, %add3A_325 : i32
      %swap3A_327 = arith.index_cast %add3A_326 : i32 to index
      %swap3A_328 = tpu.vector_load %arg9[%swap3A_327] {strides = array<i32>} : memref<34896xf32, #tpu.memory_space<vmem>>, vector<16xf32>,
      tpu.vector_store %arg9[%swap3A_327], %add3A_324 {strides = array<i32>} : memref<34896xf32, #tpu.memory_space<vmem>>, vector<16xf32>,
      %add3A_329 = arith.addf %gather3A, %get3A_126 : vector<16xf32>
      %add3A_330 = arith.constant 32 : i32
      %add3A_331 = arith.addi %add3A_319, %add3A_330 : i32
      %swap3A_332 = arith.index_cast %add3A_331 : i32 to index
      %swap3A_333 = tpu.vector_load %arg9[%swap3A_332] {strides = array<i32>} : memref<34896xf32, #tpu.memory_space<vmem>>, vector<16xf32>,
      tpu.vector_store %arg9[%swap3A_332], %add3A_329 {strides = array<i32>} : memref<34896xf32, #tpu.memory_space<vmem>>, vector<16xf32>,
      %add3A_334 = arith.addf %gather3A, %get3A_132 : vector<16xf32>
      %add3A_335 = arith.constant 48 : i32
      %add3A_336 = arith.addi %add3A_319, %add3A_335 : i32
      %swap3A_337 = arith.index_cast %add3A_336 : i32 to index
      %swap3A_338 = tpu.vector_load %arg9[%swap3A_337] {strides = array<i32>} : memref<34896xf32, #tpu.memory_space<vmem>>, vector<16xf32>,
      tpu.vector_store %arg9[%swap3A_337], %add3A_334 {strides = array<i32>} : memref<34896xf32, #tpu.memory_space<vmem>>, vector<16xf32>,
      %add3A_339 = arith.addf %gather3A, %get3A_138 : vector<16xf32>
      %add3A_340 = arith.constant 64 : i32
      %add3A_341 = arith.addi %add3A_319, %add3A_340 : i32
      %swap3A_342 = arith.index_cast %add3A_341 : i32 to index
      %swap3A_343 = tpu.vector_load %arg9[%swap3A_342] {strides = array<i32>} : memref<34896xf32, #tpu.memory_space<vmem>>, vector<16xf32>,
      tpu.vector_store %arg9[%swap3A_342], %add3A_339 {strides = array<i32>} : memref<34896xf32, #tpu.memory_space<vmem>>, vector<16xf32>,
      %scan3A_344 = arith.constant 0 : i32
      scf.yield %scan3A_344 : i32
    }
    %scan3A_145 = arith.constant 66 : i32
    %add3A_146 = arith.constant 320 : i32
    %add3A_147 = arith.addi %mul3A_0, %add3A_146 : i32
    %add3A_148 = arith.constant 0 : i32
    %add3A_149 = arith.addi %add3A_147, %add3A_148 : i32
    %get3A_150 = arith.index_cast %add3A_149 : i32 to index
    %get3A_151 = tpu.vector_load %arg8[%get3A_150] {strides = array<i32>} : memref<1280xf32, #tpu.memory_space<vmem>>, vector<16xf32>,
    %add3A_152 = arith.constant 320 : i32
    %add3A_153 = arith.addi %mul3A_0, %add3A_152 : i32
    %add3A_154 = arith.constant 16 : i32
    %add3A_155 = arith.addi %add3A_153, %add3A_154 : i32
    %get3A_156 = arith.index_cast %add3A_155 : i32 to index
    %get3A_157 = tpu.vector_load %arg8[%get3A_156] {strides = array<i32>} : memref<1280xf32, #tpu.memory_space<vmem>>, vector<16xf32>,
    %add3A_158 = arith.constant 320 : i32
    %add3A_159 = arith.addi %mul3A_0, %add3A_158 : i32
    %add3A_160 = arith.constant 32 : i32
    %add3A_161 = arith.addi %add3A_159, %add3A_160 : i32
    %get3A_162 = arith.index_cast %add3A_161 : i32 to index
    %get3A_163 = tpu.vector_load %arg8[%get3A_162] {strides = array<i32>} : memref<1280xf32, #tpu.memory_space<vmem>>, vector<16xf32>,
    %add3A_164 = arith.constant 320 : i32
    %add3A_165 = arith.addi %mul3A_0, %add3A_164 : i32
    %add3A_166 = arith.constant 48 : i32
    %add3A_167 = arith.addi %add3A_165, %add3A_166 : i32
    %get3A_168 = arith.index_cast %add3A_167 : i32 to index
    %get3A_169 = tpu.vector_load %arg8[%get3A_168] {strides = array<i32>} : memref<1280xf32, #tpu.memory_space<vmem>>, vector<16xf32>,
    %add3A_170 = arith.constant 320 : i32
    %add3A_171 = arith.addi %mul3A_0, %add3A_170 : i32
    %add3A_172 = arith.constant 64 : i32
    %add3A_173 = arith.addi %add3A_171, %add3A_172 : i32
    %get3A_174 = arith.index_cast %add3A_173 : i32 to index
    %get3A_175 = tpu.vector_load %arg8[%get3A_174] {strides = array<i32>} : memref<1280xf32, #tpu.memory_space<vmem>>, vector<16xf32>,
    %scan3A_176 = arith.constant 0 : i32
    %scan3A_177 = arith.constant 0 : i32
    %scan3A_178 = arith.constant 66 : i32
    %scan3A_179 = arith.addi %scan3A_177, %scan3A_178 : i32
    %scan3A_180 = arith.constant 1 : i32
    %scan3A_181 = scf.for %scan3A_310 = %scan3A_177 to %scan3A_179 step %scan3A_180 iter_args(%scan3A_311 = %scan3A_176) -> (i32)  : i32 {
      %add3A_312 = arith.constant 320 : i32
      %add3A_313 = arith.addi %add3A_312, %scan3A_310 : i32
      %broadcast_in_dim3A = vector.broadcast %add3A_313 : i32 to vector<16xi32>
      %add3A_314 = vector.broadcast %mul3A_0 : i32 to vector<16xi32>
      %add3A_315 = arith.addi %broadcast_in_dim3A, %add3A_314 : vector<16xi32>
      %gather3A = tpu.vector_load_idx %arg7[%add3A_315] : memref<1280xf32, #tpu.memory_space<vmem>>[vector<16xi32>], vector<16xf32>,
      %mul3A_316 = arith.constant 66 : i32
      %mul3A_317 = arith.muli %scan3A_310, %mul3A_316 : i32
      %add3A_318 = arith.constant 17440 : i32
      %add3A_319 = arith.addi %add3A_318, %mul3A_317 : i32
      %add3A_320 = arith.addf %gather3A, %get3A_151 : vector<16xf32>
      %add3A_321 = arith.constant 0 : i32
      %add3A_322 = arith.addi %add3A_319, %add3A_321 : i32
      %swap3A = arith.index_cast %add3A_322 : i32 to index
      %swap3A_323 = tpu.vector_load %arg9[%swap3A] {strides = array<i32>} : memref<34896xf32, #tpu.memory_space<vmem>>, vector<16xf32>,
      tpu.vector_store %arg9[%swap3A], %add3A_320 {strides = array<i32>} : memref<34896xf32, #tpu.memory_space<vmem>>, vector<16xf32>,
      %add3A_324 = arith.addf %gather3A, %get3A_157 : vector<16xf32>
      %add3A_325 = arith.constant 16 : i32
      %add3A_326 = arith.addi %add3A_319, %add3A_325 : i32
      %swap3A_327 = arith.index_cast %add3A_326 : i32 to index
      %swap3A_328 = tpu.vector_load %arg9[%swap3A_327] {strides = array<i32>} : memref<34896xf32, #tpu.memory_space<vmem>>, vector<16xf32>,
      tpu.vector_store %arg9[%swap3A_327], %add3A_324 {strides = array<i32>} : memref<34896xf32, #tpu.memory_space<vmem>>, vector<16xf32>,
      %add3A_329 = arith.addf %gather3A, %get3A_163 : vector<16xf32>
      %add3A_330 = arith.constant 32 : i32
      %add3A_331 = arith.addi %add3A_319, %add3A_330 : i32
      %swap3A_332 = arith.index_cast %add3A_331 : i32 to index
      %swap3A_333 = tpu.vector_load %arg9[%swap3A_332] {strides = array<i32>} : memref<34896xf32, #tpu.memory_space<vmem>>, vector<16xf32>,
      tpu.vector_store %arg9[%swap3A_332], %add3A_329 {strides = array<i32>} : memref<34896xf32, #tpu.memory_space<vmem>>, vector<16xf32>,
      %add3A_334 = arith.addf %gather3A, %get3A_169 : vector<16xf32>
      %add3A_335 = arith.constant 48 : i32
      %add3A_336 = arith.addi %add3A_319, %add3A_335 : i32
      %swap3A_337 = arith.index_cast %add3A_336 : i32 to index
      %swap3A_338 = tpu.vector_load %arg9[%swap3A_337] {strides = array<i32>} : memref<34896xf32, #tpu.memory_space<vmem>>, vector<16xf32>,
      tpu.vector_store %arg9[%swap3A_337], %add3A_334 {strides = array<i32>} : memref<34896xf32, #tpu.memory_space<vmem>>, vector<16xf32>,
      %add3A_339 = arith.addf %gather3A, %get3A_175 : vector<16xf32>
      %add3A_340 = arith.constant 64 : i32
      %add3A_341 = arith.addi %add3A_319, %add3A_340 : i32
      %swap3A_342 = arith.index_cast %add3A_341 : i32 to index
      %swap3A_343 = tpu.vector_load %arg9[%swap3A_342] {strides = array<i32>} : memref<34896xf32, #tpu.memory_space<vmem>>, vector<16xf32>,
      tpu.vector_store %arg9[%swap3A_342], %add3A_339 {strides = array<i32>} : memref<34896xf32, #tpu.memory_space<vmem>>, vector<16xf32>,
      %scan3A_344 = arith.constant 0 : i32
      scf.yield %scan3A_344 : i32
    }
    %scan3A_182 = arith.constant 66 : i32
    %add3A_183 = arith.constant 400 : i32
    %add3A_184 = arith.addi %mul3A_0, %add3A_183 : i32
    %add3A_185 = arith.constant 0 : i32
    %add3A_186 = arith.addi %add3A_184, %add3A_185 : i32
    %get3A_187 = arith.index_cast %add3A_186 : i32 to index
    %get3A_188 = tpu.vector_load %arg8[%get3A_187] {strides = array<i32>} : memref<1280xf32, #tpu.memory_space<vmem>>, vector<16xf32>,
    %add3A_189 = arith.constant 400 : i32
    %add3A_190 = arith.addi %mul3A_0, %add3A_189 : i32
    %add3A_191 = arith.constant 16 : i32
    %add3A_192 = arith.addi %add3A_190, %add3A_191 : i32
    %get3A_193 = arith.index_cast %add3A_192 : i32 to index
    %get3A_194 = tpu.vector_load %arg8[%get3A_193] {strides = array<i32>} : memref<1280xf32, #tpu.memory_space<vmem>>, vector<16xf32>,
    %add3A_195 = arith.constant 400 : i32
    %add3A_196 = arith.addi %mul3A_0, %add3A_195 : i32
    %add3A_197 = arith.constant 32 : i32
    %add3A_198 = arith.addi %add3A_196, %add3A_197 : i32
    %get3A_199 = arith.index_cast %add3A_198 : i32 to index
    %get3A_200 = tpu.vector_load %arg8[%get3A_199] {strides = array<i32>} : memref<1280xf32, #tpu.memory_space<vmem>>, vector<16xf32>,
    %add3A_201 = arith.constant 400 : i32
    %add3A_202 = arith.addi %mul3A_0, %add3A_201 : i32
    %add3A_203 = arith.constant 48 : i32
    %add3A_204 = arith.addi %add3A_202, %add3A_203 : i32
    %get3A_205 = arith.index_cast %add3A_204 : i32 to index
    %get3A_206 = tpu.vector_load %arg8[%get3A_205] {strides = array<i32>} : memref<1280xf32, #tpu.memory_space<vmem>>, vector<16xf32>,
    %add3A_207 = arith.constant 400 : i32
    %add3A_208 = arith.addi %mul3A_0, %add3A_207 : i32
    %add3A_209 = arith.constant 64 : i32
    %add3A_210 = arith.addi %add3A_208, %add3A_209 : i32
    %get3A_211 = arith.index_cast %add3A_210 : i32 to index
    %get3A_212 = tpu.vector_load %arg8[%get3A_211] {strides = array<i32>} : memref<1280xf32, #tpu.memory_space<vmem>>, vector<16xf32>,
    %scan3A_213 = arith.constant 0 : i32
    %scan3A_214 = arith.constant 0 : i32
    %scan3A_215 = arith.constant 66 : i32
    %scan3A_216 = arith.addi %scan3A_214, %scan3A_215 : i32
    %scan3A_217 = arith.constant 1 : i32
    %scan3A_218 = scf.for %scan3A_310 = %scan3A_214 to %scan3A_216 step %scan3A_217 iter_args(%scan3A_311 = %scan3A_213) -> (i32)  : i32 {
      %add3A_312 = arith.constant 400 : i32
      %add3A_313 = arith.addi %add3A_312, %scan3A_310 : i32
      %broadcast_in_dim3A = vector.broadcast %add3A_313 : i32 to vector<16xi32>
      %add3A_314 = vector.broadcast %mul3A_0 : i32 to vector<16xi32>
      %add3A_315 = arith.addi %broadcast_in_dim3A, %add3A_314 : vector<16xi32>
      %gather3A = tpu.vector_load_idx %arg7[%add3A_315] : memref<1280xf32, #tpu.memory_space<vmem>>[vector<16xi32>], vector<16xf32>,
      %mul3A_316 = arith.constant 66 : i32
      %mul3A_317 = arith.muli %scan3A_310, %mul3A_316 : i32
      %add3A_318 = arith.constant 21800 : i32
      %add3A_319 = arith.addi %add3A_318, %mul3A_317 : i32
      %add3A_320 = arith.addf %gather3A, %get3A_188 : vector<16xf32>
      %add3A_321 = arith.constant 0 : i32
      %add3A_322 = arith.addi %add3A_319, %add3A_321 : i32
      %swap3A = arith.index_cast %add3A_322 : i32 to index
      %swap3A_323 = tpu.vector_load %arg9[%swap3A] {strides = array<i32>} : memref<34896xf32, #tpu.memory_space<vmem>>, vector<16xf32>,
      tpu.vector_store %arg9[%swap3A], %add3A_320 {strides = array<i32>} : memref<34896xf32, #tpu.memory_space<vmem>>, vector<16xf32>,
      %add3A_324 = arith.addf %gather3A, %get3A_194 : vector<16xf32>
      %add3A_325 = arith.constant 16 : i32
      %add3A_326 = arith.addi %add3A_319, %add3A_325 : i32
      %swap3A_327 = arith.index_cast %add3A_326 : i32 to index
      %swap3A_328 = tpu.vector_load %arg9[%swap3A_327] {strides = array<i32>} : memref<34896xf32, #tpu.memory_space<vmem>>, vector<16xf32>,
      tpu.vector_store %arg9[%swap3A_327], %add3A_324 {strides = array<i32>} : memref<34896xf32, #tpu.memory_space<vmem>>, vector<16xf32>,
      %add3A_329 = arith.addf %gather3A, %get3A_200 : vector<16xf32>
      %add3A_330 = arith.constant 32 : i32
      %add3A_331 = arith.addi %add3A_319, %add3A_330 : i32
      %swap3A_332 = arith.index_cast %add3A_331 : i32 to index
      %swap3A_333 = tpu.vector_load %arg9[%swap3A_332] {strides = array<i32>} : memref<34896xf32, #tpu.memory_space<vmem>>, vector<16xf32>,
      tpu.vector_store %arg9[%swap3A_332], %add3A_329 {strides = array<i32>} : memref<34896xf32, #tpu.memory_space<vmem>>, vector<16xf32>,
      %add3A_334 = arith.addf %gather3A, %get3A_206 : vector<16xf32>
      %add3A_335 = arith.constant 48 : i32
      %add3A_336 = arith.addi %add3A_319, %add3A_335 : i32
      %swap3A_337 = arith.index_cast %add3A_336 : i32 to index
      %swap3A_338 = tpu.vector_load %arg9[%swap3A_337] {strides = array<i32>} : memref<34896xf32, #tpu.memory_space<vmem>>, vector<16xf32>,
      tpu.vector_store %arg9[%swap3A_337], %add3A_334 {strides = array<i32>} : memref<34896xf32, #tpu.memory_space<vmem>>, vector<16xf32>,
      %add3A_339 = arith.addf %gather3A, %get3A_212 : vector<16xf32>
      %add3A_340 = arith.constant 64 : i32
      %add3A_341 = arith.addi %add3A_319, %add3A_340 : i32
      %swap3A_342 = arith.index_cast %add3A_341 : i32 to index
      %swap3A_343 = tpu.vector_load %arg9[%swap3A_342] {strides = array<i32>} : memref<34896xf32, #tpu.memory_space<vmem>>, vector<16xf32>,
      tpu.vector_store %arg9[%swap3A_342], %add3A_339 {strides = array<i32>} : memref<34896xf32, #tpu.memory_space<vmem>>, vector<16xf32>,
      %scan3A_344 = arith.constant 0 : i32
      scf.yield %scan3A_344 : i32
    }
    %scan3A_219 = arith.constant 66 : i32
    %add3A_220 = arith.constant 480 : i32
    %add3A_221 = arith.addi %mul3A_0, %add3A_220 : i32
    %add3A_222 = arith.constant 0 : i32
    %add3A_223 = arith.addi %add3A_221, %add3A_222 : i32
    %get3A_224 = arith.index_cast %add3A_223 : i32 to index
    %get3A_225 = tpu.vector_load %arg8[%get3A_224] {strides = array<i32>} : memref<1280xf32, #tpu.memory_space<vmem>>, vector<16xf32>,
    %add3A_226 = arith.constant 480 : i32
    %add3A_227 = arith.addi %mul3A_0, %add3A_226 : i32
    %add3A_228 = arith.constant 16 : i32
    %add3A_229 = arith.addi %add3A_227, %add3A_228 : i32
    %get3A_230 = arith.index_cast %add3A_229 : i32 to index
    %get3A_231 = tpu.vector_load %arg8[%get3A_230] {strides = array<i32>} : memref<1280xf32, #tpu.memory_space<vmem>>, vector<16xf32>,
    %add3A_232 = arith.constant 480 : i32
    %add3A_233 = arith.addi %mul3A_0, %add3A_232 : i32
    %add3A_234 = arith.constant 32 : i32
    %add3A_235 = arith.addi %add3A_233, %add3A_234 : i32
    %get3A_236 = arith.index_cast %add3A_235 : i32 to index
    %get3A_237 = tpu.vector_load %arg8[%get3A_236] {strides = array<i32>} : memref<1280xf32, #tpu.memory_space<vmem>>, vector<16xf32>,
    %add3A_238 = arith.constant 480 : i32
    %add3A_239 = arith.addi %mul3A_0, %add3A_238 : i32
    %add3A_240 = arith.constant 48 : i32
    %add3A_241 = arith.addi %add3A_239, %add3A_240 : i32
    %get3A_242 = arith.index_cast %add3A_241 : i32 to index
    %get3A_243 = tpu.vector_load %arg8[%get3A_242] {strides = array<i32>} : memref<1280xf32, #tpu.memory_space<vmem>>, vector<16xf32>,
    %add3A_244 = arith.constant 480 : i32
    %add3A_245 = arith.addi %mul3A_0, %add3A_244 : i32
    %add3A_246 = arith.constant 64 : i32
    %add3A_247 = arith.addi %add3A_245, %add3A_246 : i32
    %get3A_248 = arith.index_cast %add3A_247 : i32 to index
    %get3A_249 = tpu.vector_load %arg8[%get3A_248] {strides = array<i32>} : memref<1280xf32, #tpu.memory_space<vmem>>, vector<16xf32>,
    %scan3A_250 = arith.constant 0 : i32
    %scan3A_251 = arith.constant 0 : i32
    %scan3A_252 = arith.constant 66 : i32
    %scan3A_253 = arith.addi %scan3A_251, %scan3A_252 : i32
    %scan3A_254 = arith.constant 1 : i32
    %scan3A_255 = scf.for %scan3A_310 = %scan3A_251 to %scan3A_253 step %scan3A_254 iter_args(%scan3A_311 = %scan3A_250) -> (i32)  : i32 {
      %add3A_312 = arith.constant 480 : i32
      %add3A_313 = arith.addi %add3A_312, %scan3A_310 : i32
      %broadcast_in_dim3A = vector.broadcast %add3A_313 : i32 to vector<16xi32>
      %add3A_314 = vector.broadcast %mul3A_0 : i32 to vector<16xi32>
      %add3A_315 = arith.addi %broadcast_in_dim3A, %add3A_314 : vector<16xi32>
      %gather3A = tpu.vector_load_idx %arg7[%add3A_315] : memref<1280xf32, #tpu.memory_space<vmem>>[vector<16xi32>], vector<16xf32>,
      %mul3A_316 = arith.constant 66 : i32
      %mul3A_317 = arith.muli %scan3A_310, %mul3A_316 : i32
      %add3A_318 = arith.constant 26160 : i32
      %add3A_319 = arith.addi %add3A_318, %mul3A_317 : i32
      %add3A_320 = arith.addf %gather3A, %get3A_225 : vector<16xf32>
      %add3A_321 = arith.constant 0 : i32
      %add3A_322 = arith.addi %add3A_319, %add3A_321 : i32
      %swap3A = arith.index_cast %add3A_322 : i32 to index
      %swap3A_323 = tpu.vector_load %arg9[%swap3A] {strides = array<i32>} : memref<34896xf32, #tpu.memory_space<vmem>>, vector<16xf32>,
      tpu.vector_store %arg9[%swap3A], %add3A_320 {strides = array<i32>} : memref<34896xf32, #tpu.memory_space<vmem>>, vector<16xf32>,
      %add3A_324 = arith.addf %gather3A, %get3A_231 : vector<16xf32>
      %add3A_325 = arith.constant 16 : i32
      %add3A_326 = arith.addi %add3A_319, %add3A_325 : i32
      %swap3A_327 = arith.index_cast %add3A_326 : i32 to index
      %swap3A_328 = tpu.vector_load %arg9[%swap3A_327] {strides = array<i32>} : memref<34896xf32, #tpu.memory_space<vmem>>, vector<16xf32>,
      tpu.vector_store %arg9[%swap3A_327], %add3A_324 {strides = array<i32>} : memref<34896xf32, #tpu.memory_space<vmem>>, vector<16xf32>,
      %add3A_329 = arith.addf %gather3A, %get3A_237 : vector<16xf32>
      %add3A_330 = arith.constant 32 : i32
      %add3A_331 = arith.addi %add3A_319, %add3A_330 : i32
      %swap3A_332 = arith.index_cast %add3A_331 : i32 to index
      %swap3A_333 = tpu.vector_load %arg9[%swap3A_332] {strides = array<i32>} : memref<34896xf32, #tpu.memory_space<vmem>>, vector<16xf32>,
      tpu.vector_store %arg9[%swap3A_332], %add3A_329 {strides = array<i32>} : memref<34896xf32, #tpu.memory_space<vmem>>, vector<16xf32>,
      %add3A_334 = arith.addf %gather3A, %get3A_243 : vector<16xf32>
      %add3A_335 = arith.constant 48 : i32
      %add3A_336 = arith.addi %add3A_319, %add3A_335 : i32
      %swap3A_337 = arith.index_cast %add3A_336 : i32 to index
      %swap3A_338 = tpu.vector_load %arg9[%swap3A_337] {strides = array<i32>} : memref<34896xf32, #tpu.memory_space<vmem>>, vector<16xf32>,
      tpu.vector_store %arg9[%swap3A_337], %add3A_334 {strides = array<i32>} : memref<34896xf32, #tpu.memory_space<vmem>>, vector<16xf32>,
      %add3A_339 = arith.addf %gather3A, %get3A_249 : vector<16xf32>
      %add3A_340 = arith.constant 64 : i32
      %add3A_341 = arith.addi %add3A_319, %add3A_340 : i32
      %swap3A_342 = arith.index_cast %add3A_341 : i32 to index
      %swap3A_343 = tpu.vector_load %arg9[%swap3A_342] {strides = array<i32>} : memref<34896xf32, #tpu.memory_space<vmem>>, vector<16xf32>,
      tpu.vector_store %arg9[%swap3A_342], %add3A_339 {strides = array<i32>} : memref<34896xf32, #tpu.memory_space<vmem>>, vector<16xf32>,
      %scan3A_344 = arith.constant 0 : i32
      scf.yield %scan3A_344 : i32
    }
    %scan3A_256 = arith.constant 66 : i32
    %add3A_257 = arith.constant 560 : i32
    %add3A_258 = arith.addi %mul3A_0, %add3A_257 : i32
    %add3A_259 = arith.constant 0 : i32
    %add3A_260 = arith.addi %add3A_258, %add3A_259 : i32
    %get3A_261 = arith.index_cast %add3A_260 : i32 to index
    %get3A_262 = tpu.vector_load %arg8[%get3A_261] {strides = array<i32>} : memref<1280xf32, #tpu.memory_space<vmem>>, vector<16xf32>,
    %add3A_263 = arith.constant 560 : i32
    %add3A_264 = arith.addi %mul3A_0, %add3A_263 : i32
    %add3A_265 = arith.constant 16 : i32
    %add3A_266 = arith.addi %add3A_264, %add3A_265 : i32
    %get3A_267 = arith.index_cast %add3A_266 : i32 to index
    %get3A_268 = tpu.vector_load %arg8[%get3A_267] {strides = array<i32>} : memref<1280xf32, #tpu.memory_space<vmem>>, vector<16xf32>,
    %add3A_269 = arith.constant 560 : i32
    %add3A_270 = arith.addi %mul3A_0, %add3A_269 : i32
    %add3A_271 = arith.constant 32 : i32
    %add3A_272 = arith.addi %add3A_270, %add3A_271 : i32
    %get3A_273 = arith.index_cast %add3A_272 : i32 to index
    %get3A_274 = tpu.vector_load %arg8[%get3A_273] {strides = array<i32>} : memref<1280xf32, #tpu.memory_space<vmem>>, vector<16xf32>,
    %add3A_275 = arith.constant 560 : i32
    %add3A_276 = arith.addi %mul3A_0, %add3A_275 : i32
    %add3A_277 = arith.constant 48 : i32
    %add3A_278 = arith.addi %add3A_276, %add3A_277 : i32
    %get3A_279 = arith.index_cast %add3A_278 : i32 to index
    %get3A_280 = tpu.vector_load %arg8[%get3A_279] {strides = array<i32>} : memref<1280xf32, #tpu.memory_space<vmem>>, vector<16xf32>,
    %add3A_281 = arith.constant 560 : i32
    %add3A_282 = arith.addi %mul3A_0, %add3A_281 : i32
    %add3A_283 = arith.constant 64 : i32
    %add3A_284 = arith.addi %add3A_282, %add3A_283 : i32
    %get3A_285 = arith.index_cast %add3A_284 : i32 to index
    %get3A_286 = tpu.vector_load %arg8[%get3A_285] {strides = array<i32>} : memref<1280xf32, #tpu.memory_space<vmem>>, vector<16xf32>,
    %scan3A_287 = arith.constant 0 : i32
    %scan3A_288 = arith.constant 0 : i32
    %scan3A_289 = arith.constant 66 : i32
    %scan3A_290 = arith.addi %scan3A_288, %scan3A_289 : i32
    %scan3A_291 = arith.constant 1 : i32
    %scan3A_292 = scf.for %scan3A_310 = %scan3A_288 to %scan3A_290 step %scan3A_291 iter_args(%scan3A_311 = %scan3A_287) -> (i32)  : i32 {
      %add3A_312 = arith.constant 560 : i32
      %add3A_313 = arith.addi %add3A_312, %scan3A_310 : i32
      %broadcast_in_dim3A = vector.broadcast %add3A_313 : i32 to vector<16xi32>
      %add3A_314 = vector.broadcast %mul3A_0 : i32 to vector<16xi32>
      %add3A_315 = arith.addi %broadcast_in_dim3A, %add3A_314 : vector<16xi32>
      %gather3A = tpu.vector_load_idx %arg7[%add3A_315] : memref<1280xf32, #tpu.memory_space<vmem>>[vector<16xi32>], vector<16xf32>,
      %mul3A_316 = arith.constant 66 : i32
      %mul3A_317 = arith.muli %scan3A_310, %mul3A_316 : i32
      %add3A_318 = arith.constant 30520 : i32
      %add3A_319 = arith.addi %add3A_318, %mul3A_317 : i32
      %add3A_320 = arith.addf %gather3A, %get3A_262 : vector<16xf32>
      %add3A_321 = arith.constant 0 : i32
      %add3A_322 = arith.addi %add3A_319, %add3A_321 : i32
      %swap3A = arith.index_cast %add3A_322 : i32 to index
      %swap3A_323 = tpu.vector_load %arg9[%swap3A] {strides = array<i32>} : memref<34896xf32, #tpu.memory_space<vmem>>, vector<16xf32>,
      tpu.vector_store %arg9[%swap3A], %add3A_320 {strides = array<i32>} : memref<34896xf32, #tpu.memory_space<vmem>>, vector<16xf32>,
      %add3A_324 = arith.addf %gather3A, %get3A_268 : vector<16xf32>
      %add3A_325 = arith.constant 16 : i32
      %add3A_326 = arith.addi %add3A_319, %add3A_325 : i32
      %swap3A_327 = arith.index_cast %add3A_326 : i32 to index
      %swap3A_328 = tpu.vector_load %arg9[%swap3A_327] {strides = array<i32>} : memref<34896xf32, #tpu.memory_space<vmem>>, vector<16xf32>,
      tpu.vector_store %arg9[%swap3A_327], %add3A_324 {strides = array<i32>} : memref<34896xf32, #tpu.memory_space<vmem>>, vector<16xf32>,
      %add3A_329 = arith.addf %gather3A, %get3A_274 : vector<16xf32>
      %add3A_330 = arith.constant 32 : i32
      %add3A_331 = arith.addi %add3A_319, %add3A_330 : i32
      %swap3A_332 = arith.index_cast %add3A_331 : i32 to index
      %swap3A_333 = tpu.vector_load %arg9[%swap3A_332] {strides = array<i32>} : memref<34896xf32, #tpu.memory_space<vmem>>, vector<16xf32>,
      tpu.vector_store %arg9[%swap3A_332], %add3A_329 {strides = array<i32>} : memref<34896xf32, #tpu.memory_space<vmem>>, vector<16xf32>,
      %add3A_334 = arith.addf %gather3A, %get3A_280 : vector<16xf32>
      %add3A_335 = arith.constant 48 : i32
      %add3A_336 = arith.addi %add3A_319, %add3A_335 : i32
      %swap3A_337 = arith.index_cast %add3A_336 : i32 to index
      %swap3A_338 = tpu.vector_load %arg9[%swap3A_337] {strides = array<i32>} : memref<34896xf32, #tpu.memory_space<vmem>>, vector<16xf32>,
      tpu.vector_store %arg9[%swap3A_337], %add3A_334 {strides = array<i32>} : memref<34896xf32, #tpu.memory_space<vmem>>, vector<16xf32>,
      %add3A_339 = arith.addf %gather3A, %get3A_286 : vector<16xf32>
      %add3A_340 = arith.constant 64 : i32
      %add3A_341 = arith.addi %add3A_319, %add3A_340 : i32
      %swap3A_342 = arith.index_cast %add3A_341 : i32 to index
      %swap3A_343 = tpu.vector_load %arg9[%swap3A_342] {strides = array<i32>} : memref<34896xf32, #tpu.memory_space<vmem>>, vector<16xf32>,
      tpu.vector_store %arg9[%swap3A_342], %add3A_339 {strides = array<i32>} : memref<34896xf32, #tpu.memory_space<vmem>>, vector<16xf32>,
      %scan3A_344 = arith.constant 0 : i32
      scf.yield %scan3A_344 : i32
    }
    %scan3A_293 = arith.constant 66 : i32
    %scan3A_294 = arith.constant 0 : i32
    %scan3A_295 = arith.constant 0 : i32
    %scan3A_296 = arith.constant 8 : i32
    %scan3A_297 = arith.addi %scan3A_295, %scan3A_296 : i32
    %scan3A_298 = arith.constant 1 : i32
    %scan3A_299 = scf.for %scan3A_310 = %scan3A_295 to %scan3A_297 step %scan3A_298 iter_args(%scan3A_311 = %scan3A_294) -> (i32)  : i32 {
      %mul3A_312 = arith.constant 8 : i32
      %mul3A_313 = arith.muli %arg1, %mul3A_312 : i32
      %add3A_314 = arith.addi %mul3A_313, %scan3A_310 : i32
      %mul3A_315 = arith.constant 8 : i32
      %mul3A_316 = arith.muli %add3A_314, %mul3A_315 : i32
      %eq3A_317 = arith.constant 0 : i32
      %eq3A_318 = arith.cmpi eq, %scan3A_310, %eq3A_317 : i32
      %dma_start3A = arith.constant 0 : i32
      %dma_start3A_319 = arith.constant 0 : i32
      %dma_start3A_320 = tpu.memref_slice %arg10[%dma_start3A, %dma_start3A_319] : memref<8x1152xi32, #tpu.memory_space<vmem>> -> memref<8x1152xi32, #tpu.memory_space<vmem>>
      %dma_start3A_321 = arith.constant 0 : i32
      %dma_start3A_322 = tpu.memref_slice %arg4[%mul3A_316, %dma_start3A_321] : memref<1025x1025xi32, #tpu.memory_space<hbm>> -> memref<8x1152xi32, #tpu.memory_space<hbm>>
      %dma_start3A_323 = arith.constant 0 : i32
      %dma_start3A_324 = arith.constant 0 : i32
      %dma_start3A_325 = tpu.memref_slice %arg10[%dma_start3A_323, %dma_start3A_324] : memref<8x1152xi32, #tpu.memory_space<vmem>> -> memref<8x1152xi32, #tpu.memory_space<vmem>>
      %dma_start3A_326 = arith.constant 0 : i32
      %dma_start3A_327 = tpu.memref_slice %arg4[%mul3A_316, %dma_start3A_326] : memref<1025x1025xi32, #tpu.memory_space<hbm>> -> memref<8x1152xi32, #tpu.memory_space<hbm>>
      tpu.enqueue_dma source(%dma_start3A_327 : memref<8x1152xi32, #tpu.memory_space<hbm>>) target(%dma_start3A_325 : memref<8x1152xi32, #tpu.memory_space<vmem>>) target_semaphore(%arg13 : memref<!tpu.dma_semaphore, #tpu.memory_space<semaphore_mem>>)
      %dma_start3A_328 = arith.constant 0 : i32
      %dma_start3A_329 = arith.constant 0 : i32
      %dma_start3A_330 = tpu.memref_slice %arg11[%dma_start3A_328, %dma_start3A_329] : memref<8x1152xi32, #tpu.memory_space<vmem>> -> memref<8x1152xi32, #tpu.memory_space<vmem>>
      %dma_start3A_331 = arith.constant 0 : i32
      %dma_start3A_332 = tpu.memref_slice %arg5[%mul3A_316, %dma_start3A_331] : memref<1025x1025xi32, #tpu.memory_space<hbm>> -> memref<8x1152xi32, #tpu.memory_space<hbm>>
      %dma_start3A_333 = arith.constant 0 : i32
      %dma_start3A_334 = arith.constant 0 : i32
      %dma_start3A_335 = tpu.memref_slice %arg11[%dma_start3A_333, %dma_start3A_334] : memref<8x1152xi32, #tpu.memory_space<vmem>> -> memref<8x1152xi32, #tpu.memory_space<vmem>>
      %dma_start3A_336 = arith.constant 0 : i32
      %dma_start3A_337 = tpu.memref_slice %arg5[%mul3A_316, %dma_start3A_336] : memref<1025x1025xi32, #tpu.memory_space<hbm>> -> memref<8x1152xi32, #tpu.memory_space<hbm>>
      tpu.enqueue_dma source(%dma_start3A_337 : memref<8x1152xi32, #tpu.memory_space<hbm>>) target(%dma_start3A_335 : memref<8x1152xi32, #tpu.memory_space<vmem>>) target_semaphore(%arg13 : memref<!tpu.dma_semaphore, #tpu.memory_space<semaphore_mem>>)
      %dma_wait3A_338 = arith.constant 0 : i32
      %dma_wait3A_339 = arith.constant 0 : i32
      %dma_wait3A_340 = tpu.memref_slice %arg10[%dma_wait3A_338, %dma_wait3A_339] : memref<8x1152xi32, #tpu.memory_space<vmem>> -> memref<8x1152xi32, #tpu.memory_space<vmem>>
      %dma_wait3A_341 = arith.constant 0 : i32
      %dma_wait3A_342 = tpu.memref_slice %arg4[%mul3A_316, %dma_wait3A_341] : memref<1025x1025xi32, #tpu.memory_space<hbm>> -> memref<8x1152xi32, #tpu.memory_space<hbm>>
      %dma_wait3A_343 = arith.constant 0 : i32
      %dma_wait3A_344 = arith.constant 0 : i32
      %dma_wait3A_345 = tpu.memref_slice %arg10[%dma_wait3A_343, %dma_wait3A_344] : memref<8x1152xi32, #tpu.memory_space<vmem>> -> memref<8x1152xi32, #tpu.memory_space<vmem>>
      %dma_wait3A_346 = arith.constant 0 : i32
      %dma_wait3A_347 = tpu.memref_slice %arg4[%mul3A_316, %dma_wait3A_346] : memref<1025x1025xi32, #tpu.memory_space<hbm>> -> memref<8x1152xi32, #tpu.memory_space<hbm>>
      tpu.wait_dma2 semaphore(%arg13 : memref<!tpu.dma_semaphore, #tpu.memory_space<semaphore_mem>>) src(%dma_wait3A_347 : memref<8x1152xi32, #tpu.memory_space<hbm>>) dst(%dma_wait3A_345 : memref<8x1152xi32, #tpu.memory_space<vmem>>)
      %dma_wait3A_348 = arith.constant 0 : i32
      %dma_wait3A_349 = arith.constant 0 : i32
      %dma_wait3A_350 = tpu.memref_slice %arg11[%dma_wait3A_348, %dma_wait3A_349] : memref<8x1152xi32, #tpu.memory_space<vmem>> -> memref<8x1152xi32, #tpu.memory_space<vmem>>
      %dma_wait3A_351 = arith.constant 0 : i32
      %dma_wait3A_352 = tpu.memref_slice %arg5[%mul3A_316, %dma_wait3A_351] : memref<1025x1025xi32, #tpu.memory_space<hbm>> -> memref<8x1152xi32, #tpu.memory_space<hbm>>
      %dma_wait3A_353 = arith.constant 0 : i32
      %dma_wait3A_354 = arith.constant 0 : i32
      %dma_wait3A_355 = tpu.memref_slice %arg11[%dma_wait3A_353, %dma_wait3A_354] : memref<8x1152xi32, #tpu.memory_space<vmem>> -> memref<8x1152xi32, #tpu.memory_space<vmem>>
      %dma_wait3A_356 = arith.constant 0 : i32
      %dma_wait3A_357 = tpu.memref_slice %arg5[%mul3A_316, %dma_wait3A_356] : memref<1025x1025xi32, #tpu.memory_space<hbm>> -> memref<8x1152xi32, #tpu.memory_space<hbm>>
      tpu.wait_dma2 semaphore(%arg13 : memref<!tpu.dma_semaphore, #tpu.memory_space<semaphore_mem>>) src(%dma_wait3A_357 : memref<8x1152xi32, #tpu.memory_space<hbm>>) dst(%dma_wait3A_355 : memref<8x1152xi32, #tpu.memory_space<vmem>>)
      %not3A = arith.constant true
      %not3A_358 = arith.xori %eq3A_318, %not3A : i1
      %convert_element_type3A_359 = arith.extui %not3A_358 : i1 to i32
      %cond3A_360 = arith.constant 0 : i32
      %cond3A_361 = arith.cmpi ne, %convert_element_type3A_359, %cond3A_360 : i32
      scf.if %cond3A_361 {
        %dma_wait3A_384 = arith.constant 0 : i32
        %dma_wait3A_385 = arith.constant 0 : i32
        %dma_wait3A_386 = arith.constant 0 : i32
        %dma_wait3A_387 = tpu.memref_slice %arg6[%dma_wait3A_384, %dma_wait3A_385, %dma_wait3A_386] : memref<1025x16x1025xf32, #tpu.memory_space<hbm>> -> memref<8x8x1152xf32, #tpu.memory_space<hbm>>
        %dma_wait3A_388 = arith.constant 0 : i32
        %dma_wait3A_389 = arith.constant 0 : i32
        %dma_wait3A_390 = arith.constant 0 : i32
        %dma_wait3A_391 = tpu.memref_slice %arg6[%dma_wait3A_388, %dma_wait3A_389, %dma_wait3A_390] : memref<1025x16x1025xf32, #tpu.memory_space<hbm>> -> memref<8x8x1152xf32, #tpu.memory_space<hbm>>
        tpu.wait_dma2 semaphore(%arg14 : memref<!tpu.dma_semaphore, #tpu.memory_space<semaphore_mem>>) src(%dma_wait3A_391 : memref<8x8x1152xf32, #tpu.memory_space<hbm>>) dst(%arg12 : memref<8x8x1152xf32, #tpu.memory_space<vmem>>)
      } else {
      }
      %scan3A_362 = arith.constant 0 : i32
      %scan3A_363 = arith.constant 0 : i32
      %scan3A_364 = arith.constant 72 : i32
      %scan3A_365 = arith.addi %scan3A_363, %scan3A_364 : i32
      %scan3A_366 = arith.constant 1 : i32
      %scan3A_367 = scf.for %scan3A_384 = %scan3A_363 to %scan3A_365 step %scan3A_366 iter_args(%scan3A_385 = %scan3A_362) -> (i32)  : i32 {
        %mul3A_386 = arith.constant 16 : i32
        %mul3A_387 = arith.muli %scan3A_384, %mul3A_386 : i32
        %get3A_388 = arith.constant 0 : i32
        %get3A_389 = arith.index_cast %get3A_388 : i32 to index
        %get3A_390 = arith.index_cast %mul3A_387 : i32 to index
        %get3A_391 = tpu.vector_load %arg10[%get3A_389, %get3A_390] {strides = array<i32>} : memref<8x1152xi32, #tpu.memory_space<vmem>>, vector<16xi32>,
        %mul3A_392 = arith.constant 66 : i32
        %mul3A_393 = vector.broadcast %mul3A_392 : i32 to vector<16xi32>
        %mul3A_394 = arith.muli %get3A_391, %mul3A_393 : vector<16xi32>
        %get3A_395 = arith.constant 0 : i32
        %get3A_396 = arith.index_cast %get3A_395 : i32 to index
        %get3A_397 = arith.index_cast %mul3A_387 : i32 to index
        %get3A_398 = tpu.vector_load %arg11[%get3A_396, %get3A_397] {strides = array<i32>} : memref<8x1152xi32, #tpu.memory_space<vmem>>, vector<16xi32>,
        %add3A_399 = arith.addi %mul3A_394, %get3A_398 : vector<16xi32>
        %max3A = arith.constant 0 : i32
        %max3A_400 = vector.broadcast %max3A : i32 to vector<16xi32>
        %max3A_401 = arith.maxsi %add3A_399, %max3A_400 : vector<16xi32>
        %min3A = arith.constant 4355 : i32
        %min3A_402 = vector.broadcast %min3A : i32 to vector<16xi32>
        %min3A_403 = arith.minsi %max3A_401, %min3A_402 : vector<16xi32>
        %get3A_404 = arith.constant 1 : i32
        %get3A_405 = arith.index_cast %get3A_404 : i32 to index
        %get3A_406 = arith.index_cast %mul3A_387 : i32 to index
        %get3A_407 = tpu.vector_load %arg10[%get3A_405, %get3A_406] {strides = array<i32>} : memref<8x1152xi32, #tpu.memory_space<vmem>>, vector<16xi32>,
        %mul3A_408 = arith.constant 66 : i32
        %mul3A_409 = vector.broadcast %mul3A_408 : i32 to vector<16xi32>
        %mul3A_410 = arith.muli %get3A_407, %mul3A_409 : vector<16xi32>
        %get3A_411 = arith.constant 1 : i32
        %get3A_412 = arith.index_cast %get3A_411 : i32 to index
        %get3A_413 = arith.index_cast %mul3A_387 : i32 to index
        %get3A_414 = tpu.vector_load %arg11[%get3A_412, %get3A_413] {strides = array<i32>} : memref<8x1152xi32, #tpu.memory_space<vmem>>, vector<16xi32>,
        %add3A_415 = arith.addi %mul3A_410, %get3A_414 : vector<16xi32>
        %max3A_416 = arith.constant 0 : i32
        %max3A_417 = vector.broadcast %max3A_416 : i32 to vector<16xi32>
        %max3A_418 = arith.maxsi %add3A_415, %max3A_417 : vector<16xi32>
        %min3A_419 = arith.constant 4355 : i32
        %min3A_420 = vector.broadcast %min3A_419 : i32 to vector<16xi32>
        %min3A_421 = arith.minsi %max3A_418, %min3A_420 : vector<16xi32>
        %get3A_422 = arith.constant 2 : i32
        %get3A_423 = arith.index_cast %get3A_422 : i32 to index
        %get3A_424 = arith.index_cast %mul3A_387 : i32 to index
        %get3A_425 = tpu.vector_load %arg10[%get3A_423, %get3A_424] {strides = array<i32>} : memref<8x1152xi32, #tpu.memory_space<vmem>>, vector<16xi32>,
        %mul3A_426 = arith.constant 66 : i32
        %mul3A_427 = vector.broadcast %mul3A_426 : i32 to vector<16xi32>
        %mul3A_428 = arith.muli %get3A_425, %mul3A_427 : vector<16xi32>
        %get3A_429 = arith.constant 2 : i32
        %get3A_430 = arith.index_cast %get3A_429 : i32 to index
        %get3A_431 = arith.index_cast %mul3A_387 : i32 to index
        %get3A_432 = tpu.vector_load %arg11[%get3A_430, %get3A_431] {strides = array<i32>} : memref<8x1152xi32, #tpu.memory_space<vmem>>, vector<16xi32>,
        %add3A_433 = arith.addi %mul3A_428, %get3A_432 : vector<16xi32>
        %max3A_434 = arith.constant 0 : i32
        %max3A_435 = vector.broadcast %max3A_434 : i32 to vector<16xi32>
        %max3A_436 = arith.maxsi %add3A_433, %max3A_435 : vector<16xi32>
        %min3A_437 = arith.constant 4355 : i32
        %min3A_438 = vector.broadcast %min3A_437 : i32 to vector<16xi32>
        %min3A_439 = arith.minsi %max3A_436, %min3A_438 : vector<16xi32>
        %get3A_440 = arith.constant 3 : i32
        %get3A_441 = arith.index_cast %get3A_440 : i32 to index
        %get3A_442 = arith.index_cast %mul3A_387 : i32 to index
        %get3A_443 = tpu.vector_load %arg10[%get3A_441, %get3A_442] {strides = array<i32>} : memref<8x1152xi32, #tpu.memory_space<vmem>>, vector<16xi32>,
        %mul3A_444 = arith.constant 66 : i32
        %mul3A_445 = vector.broadcast %mul3A_444 : i32 to vector<16xi32>
        %mul3A_446 = arith.muli %get3A_443, %mul3A_445 : vector<16xi32>
        %get3A_447 = arith.constant 3 : i32
        %get3A_448 = arith.index_cast %get3A_447 : i32 to index
        %get3A_449 = arith.index_cast %mul3A_387 : i32 to index
        %get3A_450 = tpu.vector_load %arg11[%get3A_448, %get3A_449] {strides = array<i32>} : memref<8x1152xi32, #tpu.memory_space<vmem>>, vector<16xi32>,
        %add3A_451 = arith.addi %mul3A_446, %get3A_450 : vector<16xi32>
        %max3A_452 = arith.constant 0 : i32
        %max3A_453 = vector.broadcast %max3A_452 : i32 to vector<16xi32>
        %max3A_454 = arith.maxsi %add3A_451, %max3A_453 : vector<16xi32>
        %min3A_455 = arith.constant 4355 : i32
        %min3A_456 = vector.broadcast %min3A_455 : i32 to vector<16xi32>
        %min3A_457 = arith.minsi %max3A_454, %min3A_456 : vector<16xi32>
        %get3A_458 = arith.constant 4 : i32
        %get3A_459 = arith.index_cast %get3A_458 : i32 to index
        %get3A_460 = arith.index_cast %mul3A_387 : i32 to index
        %get3A_461 = tpu.vector_load %arg10[%get3A_459, %get3A_460] {strides = array<i32>} : memref<8x1152xi32, #tpu.memory_space<vmem>>, vector<16xi32>,
        %mul3A_462 = arith.constant 66 : i32
        %mul3A_463 = vector.broadcast %mul3A_462 : i32 to vector<16xi32>
        %mul3A_464 = arith.muli %get3A_461, %mul3A_463 : vector<16xi32>
        %get3A_465 = arith.constant 4 : i32
        %get3A_466 = arith.index_cast %get3A_465 : i32 to index
        %get3A_467 = arith.index_cast %mul3A_387 : i32 to index
        %get3A_468 = tpu.vector_load %arg11[%get3A_466, %get3A_467] {strides = array<i32>} : memref<8x1152xi32, #tpu.memory_space<vmem>>, vector<16xi32>,
        %add3A_469 = arith.addi %mul3A_464, %get3A_468 : vector<16xi32>
        %max3A_470 = arith.constant 0 : i32
        %max3A_471 = vector.broadcast %max3A_470 : i32 to vector<16xi32>
        %max3A_472 = arith.maxsi %add3A_469, %max3A_471 : vector<16xi32>
        %min3A_473 = arith.constant 4355 : i32
        %min3A_474 = vector.broadcast %min3A_473 : i32 to vector<16xi32>
        %min3A_475 = arith.minsi %max3A_472, %min3A_474 : vector<16xi32>
        %get3A_476 = arith.constant 5 : i32
        %get3A_477 = arith.index_cast %get3A_476 : i32 to index
        %get3A_478 = arith.index_cast %mul3A_387 : i32 to index
        %get3A_479 = tpu.vector_load %arg10[%get3A_477, %get3A_478] {strides = array<i32>} : memref<8x1152xi32, #tpu.memory_space<vmem>>, vector<16xi32>,
        %mul3A_480 = arith.constant 66 : i32
        %mul3A_481 = vector.broadcast %mul3A_480 : i32 to vector<16xi32>
        %mul3A_482 = arith.muli %get3A_479, %mul3A_481 : vector<16xi32>
        %get3A_483 = arith.constant 5 : i32
        %get3A_484 = arith.index_cast %get3A_483 : i32 to index
        %get3A_485 = arith.index_cast %mul3A_387 : i32 to index
        %get3A_486 = tpu.vector_load %arg11[%get3A_484, %get3A_485] {strides = array<i32>} : memref<8x1152xi32, #tpu.memory_space<vmem>>, vector<16xi32>,
        %add3A_487 = arith.addi %mul3A_482, %get3A_486 : vector<16xi32>
        %max3A_488 = arith.constant 0 : i32
        %max3A_489 = vector.broadcast %max3A_488 : i32 to vector<16xi32>
        %max3A_490 = arith.maxsi %add3A_487, %max3A_489 : vector<16xi32>
        %min3A_491 = arith.constant 4355 : i32
        %min3A_492 = vector.broadcast %min3A_491 : i32 to vector<16xi32>
        %min3A_493 = arith.minsi %max3A_490, %min3A_492 : vector<16xi32>
        %get3A_494 = arith.constant 6 : i32
        %get3A_495 = arith.index_cast %get3A_494 : i32 to index
        %get3A_496 = arith.index_cast %mul3A_387 : i32 to index
        %get3A_497 = tpu.vector_load %arg10[%get3A_495, %get3A_496] {strides = array<i32>} : memref<8x1152xi32, #tpu.memory_space<vmem>>, vector<16xi32>,
        %mul3A_498 = arith.constant 66 : i32
        %mul3A_499 = vector.broadcast %mul3A_498 : i32 to vector<16xi32>
        %mul3A_500 = arith.muli %get3A_497, %mul3A_499 : vector<16xi32>
        %get3A_501 = arith.constant 6 : i32
        %get3A_502 = arith.index_cast %get3A_501 : i32 to index
        %get3A_503 = arith.index_cast %mul3A_387 : i32 to index
        %get3A_504 = tpu.vector_load %arg11[%get3A_502, %get3A_503] {strides = array<i32>} : memref<8x1152xi32, #tpu.memory_space<vmem>>, vector<16xi32>,
        %add3A_505 = arith.addi %mul3A_500, %get3A_504 : vector<16xi32>
        %max3A_506 = arith.constant 0 : i32
        %max3A_507 = vector.broadcast %max3A_506 : i32 to vector<16xi32>
        %max3A_508 = arith.maxsi %add3A_505, %max3A_507 : vector<16xi32>
        %min3A_509 = arith.constant 4355 : i32
        %min3A_510 = vector.broadcast %min3A_509 : i32 to vector<16xi32>
        %min3A_511 = arith.minsi %max3A_508, %min3A_510 : vector<16xi32>
        %get3A_512 = arith.constant 7 : i32
        %get3A_513 = arith.index_cast %get3A_512 : i32 to index
        %get3A_514 = arith.index_cast %mul3A_387 : i32 to index
        %get3A_515 = tpu.vector_load %arg10[%get3A_513, %get3A_514] {strides = array<i32>} : memref<8x1152xi32, #tpu.memory_space<vmem>>, vector<16xi32>,
        %mul3A_516 = arith.constant 66 : i32
        %mul3A_517 = vector.broadcast %mul3A_516 : i32 to vector<16xi32>
        %mul3A_518 = arith.muli %get3A_515, %mul3A_517 : vector<16xi32>
        %get3A_519 = arith.constant 7 : i32
        %get3A_520 = arith.index_cast %get3A_519 : i32 to index
        %get3A_521 = arith.index_cast %mul3A_387 : i32 to index
        %get3A_522 = tpu.vector_load %arg11[%get3A_520, %get3A_521] {strides = array<i32>} : memref<8x1152xi32, #tpu.memory_space<vmem>>, vector<16xi32>,
        %add3A_523 = arith.addi %mul3A_518, %get3A_522 : vector<16xi32>
        %max3A_524 = arith.constant 0 : i32
        %max3A_525 = vector.broadcast %max3A_524 : i32 to vector<16xi32>
        %max3A_526 = arith.maxsi %add3A_523, %max3A_525 : vector<16xi32>
        %min3A_527 = arith.constant 4355 : i32
        %min3A_528 = vector.broadcast %min3A_527 : i32 to vector<16xi32>
        %min3A_529 = arith.minsi %max3A_526, %min3A_528 : vector<16xi32>
        %gather3A = arith.constant 0 : i32
        %gather3A_530 = tpu.memref_slice %arg9[%gather3A] : memref<34896xf32, #tpu.memory_space<vmem>> -> memref<4356xf32, #tpu.memory_space<vmem>>
        %gather3A_531 = tpu.vector_load_idx %gather3A_530[%min3A_403] : memref<4356xf32, #tpu.memory_space<vmem>>[vector<16xi32>], vector<16xf32>,
        %gather3A_532 = arith.constant 4360 : i32
        %gather3A_533 = tpu.memref_slice %arg9[%gather3A_532] : memref<34896xf32, #tpu.memory_space<vmem>> -> memref<4356xf32, #tpu.memory_space<vmem>>
        %gather3A_534 = tpu.vector_load_idx %gather3A_533[%min3A_403] : memref<4356xf32, #tpu.memory_space<vmem>>[vector<16xi32>], vector<16xf32>,
        %gather3A_535 = arith.constant 8720 : i32
        %gather3A_536 = tpu.memref_slice %arg9[%gather3A_535] : memref<34896xf32, #tpu.memory_space<vmem>> -> memref<4356xf32, #tpu.memory_space<vmem>>
        %gather3A_537 = tpu.vector_load_idx %gather3A_536[%min3A_403] : memref<4356xf32, #tpu.memory_space<vmem>>[vector<16xi32>], vector<16xf32>,
        %gather3A_538 = arith.constant 13080 : i32
        %gather3A_539 = tpu.memref_slice %arg9[%gather3A_538] : memref<34896xf32, #tpu.memory_space<vmem>> -> memref<4356xf32, #tpu.memory_space<vmem>>
        %gather3A_540 = tpu.vector_load_idx %gather3A_539[%min3A_403] : memref<4356xf32, #tpu.memory_space<vmem>>[vector<16xi32>], vector<16xf32>,
        %gather3A_541 = arith.constant 17440 : i32
        %gather3A_542 = tpu.memref_slice %arg9[%gather3A_541] : memref<34896xf32, #tpu.memory_space<vmem>> -> memref<4356xf32, #tpu.memory_space<vmem>>
        %gather3A_543 = tpu.vector_load_idx %gather3A_542[%min3A_403] : memref<4356xf32, #tpu.memory_space<vmem>>[vector<16xi32>], vector<16xf32>,
        %gather3A_544 = arith.constant 21800 : i32
        %gather3A_545 = tpu.memref_slice %arg9[%gather3A_544] : memref<34896xf32, #tpu.memory_space<vmem>> -> memref<4356xf32, #tpu.memory_space<vmem>>
        %gather3A_546 = tpu.vector_load_idx %gather3A_545[%min3A_403] : memref<4356xf32, #tpu.memory_space<vmem>>[vector<16xi32>], vector<16xf32>,
        %gather3A_547 = arith.constant 26160 : i32
        %gather3A_548 = tpu.memref_slice %arg9[%gather3A_547] : memref<34896xf32, #tpu.memory_space<vmem>> -> memref<4356xf32, #tpu.memory_space<vmem>>
        %gather3A_549 = tpu.vector_load_idx %gather3A_548[%min3A_403] : memref<4356xf32, #tpu.memory_space<vmem>>[vector<16xi32>], vector<16xf32>,
        %gather3A_550 = arith.constant 30520 : i32
        %gather3A_551 = tpu.memref_slice %arg9[%gather3A_550] : memref<34896xf32, #tpu.memory_space<vmem>> -> memref<4356xf32, #tpu.memory_space<vmem>>
        %gather3A_552 = tpu.vector_load_idx %gather3A_551[%min3A_403] : memref<4356xf32, #tpu.memory_space<vmem>>[vector<16xi32>], vector<16xf32>,
        %gather3A_553 = arith.constant 0 : i32
        %gather3A_554 = tpu.memref_slice %arg9[%gather3A_553] : memref<34896xf32, #tpu.memory_space<vmem>> -> memref<4356xf32, #tpu.memory_space<vmem>>
        %gather3A_555 = tpu.vector_load_idx %gather3A_554[%min3A_421] : memref<4356xf32, #tpu.memory_space<vmem>>[vector<16xi32>], vector<16xf32>,
        %swap3A = arith.constant 0 : i32
        %swap3A_556 = arith.constant 0 : i32
        %swap3A_557 = arith.index_cast %swap3A : i32 to index
        %swap3A_558 = arith.index_cast %swap3A_556 : i32 to index
        %swap3A_559 = arith.index_cast %mul3A_387 : i32 to index
        %swap3A_560 = tpu.vector_load %arg12[%swap3A_557, %swap3A_558, %swap3A_559] {strides = array<i32>} : memref<8x8x1152xf32, #tpu.memory_space<vmem>>, vector<16xf32>,
        tpu.vector_store %arg12[%swap3A_557, %swap3A_558, %swap3A_559], %gather3A_531 {strides = array<i32>} : memref<8x8x1152xf32, #tpu.memory_space<vmem>>, vector<16xf32>,
        %gather3A_561 = arith.constant 4360 : i32
        %gather3A_562 = tpu.memref_slice %arg9[%gather3A_561] : memref<34896xf32, #tpu.memory_space<vmem>> -> memref<4356xf32, #tpu.memory_space<vmem>>
        %gather3A_563 = tpu.vector_load_idx %gather3A_562[%min3A_421] : memref<4356xf32, #tpu.memory_space<vmem>>[vector<16xi32>], vector<16xf32>,
        %swap3A_564 = arith.constant 0 : i32
        %swap3A_565 = arith.constant 1 : i32
        %swap3A_566 = arith.index_cast %swap3A_564 : i32 to index
        %swap3A_567 = arith.index_cast %swap3A_565 : i32 to index
        %swap3A_568 = arith.index_cast %mul3A_387 : i32 to index
        %swap3A_569 = tpu.vector_load %arg12[%swap3A_566, %swap3A_567, %swap3A_568] {strides = array<i32>} : memref<8x8x1152xf32, #tpu.memory_space<vmem>>, vector<16xf32>,
        tpu.vector_store %arg12[%swap3A_566, %swap3A_567, %swap3A_568], %gather3A_534 {strides = array<i32>} : memref<8x8x1152xf32, #tpu.memory_space<vmem>>, vector<16xf32>,
        %gather3A_570 = arith.constant 8720 : i32
        %gather3A_571 = tpu.memref_slice %arg9[%gather3A_570] : memref<34896xf32, #tpu.memory_space<vmem>> -> memref<4356xf32, #tpu.memory_space<vmem>>
        %gather3A_572 = tpu.vector_load_idx %gather3A_571[%min3A_421] : memref<4356xf32, #tpu.memory_space<vmem>>[vector<16xi32>], vector<16xf32>,
        %swap3A_573 = arith.constant 0 : i32
        %swap3A_574 = arith.constant 2 : i32
        %swap3A_575 = arith.index_cast %swap3A_573 : i32 to index
        %swap3A_576 = arith.index_cast %swap3A_574 : i32 to index
        %swap3A_577 = arith.index_cast %mul3A_387 : i32 to index
        %swap3A_578 = tpu.vector_load %arg12[%swap3A_575, %swap3A_576, %swap3A_577] {strides = array<i32>} : memref<8x8x1152xf32, #tpu.memory_space<vmem>>, vector<16xf32>,
        tpu.vector_store %arg12[%swap3A_575, %swap3A_576, %swap3A_577], %gather3A_537 {strides = array<i32>} : memref<8x8x1152xf32, #tpu.memory_space<vmem>>, vector<16xf32>,
        %gather3A_579 = arith.constant 13080 : i32
        %gather3A_580 = tpu.memref_slice %arg9[%gather3A_579] : memref<34896xf32, #tpu.memory_space<vmem>> -> memref<4356xf32, #tpu.memory_space<vmem>>
        %gather3A_581 = tpu.vector_load_idx %gather3A_580[%min3A_421] : memref<4356xf32, #tpu.memory_space<vmem>>[vector<16xi32>], vector<16xf32>,
        %swap3A_582 = arith.constant 0 : i32
        %swap3A_583 = arith.constant 3 : i32
        %swap3A_584 = arith.index_cast %swap3A_582 : i32 to index
        %swap3A_585 = arith.index_cast %swap3A_583 : i32 to index
        %swap3A_586 = arith.index_cast %mul3A_387 : i32 to index
        %swap3A_587 = tpu.vector_load %arg12[%swap3A_584, %swap3A_585, %swap3A_586] {strides = array<i32>} : memref<8x8x1152xf32, #tpu.memory_space<vmem>>, vector<16xf32>,
        tpu.vector_store %arg12[%swap3A_584, %swap3A_585, %swap3A_586], %gather3A_540 {strides = array<i32>} : memref<8x8x1152xf32, #tpu.memory_space<vmem>>, vector<16xf32>,
        %gather3A_588 = arith.constant 17440 : i32
        %gather3A_589 = tpu.memref_slice %arg9[%gather3A_588] : memref<34896xf32, #tpu.memory_space<vmem>> -> memref<4356xf32, #tpu.memory_space<vmem>>
        %gather3A_590 = tpu.vector_load_idx %gather3A_589[%min3A_421] : memref<4356xf32, #tpu.memory_space<vmem>>[vector<16xi32>], vector<16xf32>,
        %swap3A_591 = arith.constant 0 : i32
        %swap3A_592 = arith.constant 4 : i32
        %swap3A_593 = arith.index_cast %swap3A_591 : i32 to index
        %swap3A_594 = arith.index_cast %swap3A_592 : i32 to index
        %swap3A_595 = arith.index_cast %mul3A_387 : i32 to index
        %swap3A_596 = tpu.vector_load %arg12[%swap3A_593, %swap3A_594, %swap3A_595] {strides = array<i32>} : memref<8x8x1152xf32, #tpu.memory_space<vmem>>, vector<16xf32>,
        tpu.vector_store %arg12[%swap3A_593, %swap3A_594, %swap3A_595], %gather3A_543 {strides = array<i32>} : memref<8x8x1152xf32, #tpu.memory_space<vmem>>, vector<16xf32>,
        %gather3A_597 = arith.constant 21800 : i32
        %gather3A_598 = tpu.memref_slice %arg9[%gather3A_597] : memref<34896xf32, #tpu.memory_space<vmem>> -> memref<4356xf32, #tpu.memory_space<vmem>>
        %gather3A_599 = tpu.vector_load_idx %gather3A_598[%min3A_421] : memref<4356xf32, #tpu.memory_space<vmem>>[vector<16xi32>], vector<16xf32>,
        %swap3A_600 = arith.constant 0 : i32
        %swap3A_601 = arith.constant 5 : i32
        %swap3A_602 = arith.index_cast %swap3A_600 : i32 to index
        %swap3A_603 = arith.index_cast %swap3A_601 : i32 to index
        %swap3A_604 = arith.index_cast %mul3A_387 : i32 to index
        %swap3A_605 = tpu.vector_load %arg12[%swap3A_602, %swap3A_603, %swap3A_604] {strides = array<i32>} : memref<8x8x1152xf32, #tpu.memory_space<vmem>>, vector<16xf32>,
        tpu.vector_store %arg12[%swap3A_602, %swap3A_603, %swap3A_604], %gather3A_546 {strides = array<i32>} : memref<8x8x1152xf32, #tpu.memory_space<vmem>>, vector<16xf32>,
        %gather3A_606 = arith.constant 26160 : i32
        %gather3A_607 = tpu.memref_slice %arg9[%gather3A_606] : memref<34896xf32, #tpu.memory_space<vmem>> -> memref<4356xf32, #tpu.memory_space<vmem>>
        %gather3A_608 = tpu.vector_load_idx %gather3A_607[%min3A_421] : memref<4356xf32, #tpu.memory_space<vmem>>[vector<16xi32>], vector<16xf32>,
        %swap3A_609 = arith.constant 0 : i32
        %swap3A_610 = arith.constant 6 : i32
        %swap3A_611 = arith.index_cast %swap3A_609 : i32 to index
        %swap3A_612 = arith.index_cast %swap3A_610 : i32 to index
        %swap3A_613 = arith.index_cast %mul3A_387 : i32 to index
        %swap3A_614 = tpu.vector_load %arg12[%swap3A_611, %swap3A_612, %swap3A_613] {strides = array<i32>} : memref<8x8x1152xf32, #tpu.memory_space<vmem>>, vector<16xf32>,
        tpu.vector_store %arg12[%swap3A_611, %swap3A_612, %swap3A_613], %gather3A_549 {strides = array<i32>} : memref<8x8x1152xf32, #tpu.memory_space<vmem>>, vector<16xf32>,
        %gather3A_615 = arith.constant 30520 : i32
        %gather3A_616 = tpu.memref_slice %arg9[%gather3A_615] : memref<34896xf32, #tpu.memory_space<vmem>> -> memref<4356xf32, #tpu.memory_space<vmem>>
        %gather3A_617 = tpu.vector_load_idx %gather3A_616[%min3A_421] : memref<4356xf32, #tpu.memory_space<vmem>>[vector<16xi32>], vector<16xf32>,
        %swap3A_618 = arith.constant 0 : i32
        %swap3A_619 = arith.constant 7 : i32
        %swap3A_620 = arith.index_cast %swap3A_618 : i32 to index
        %swap3A_621 = arith.index_cast %swap3A_619 : i32 to index
        %swap3A_622 = arith.index_cast %mul3A_387 : i32 to index
        %swap3A_623 = tpu.vector_load %arg12[%swap3A_620, %swap3A_621, %swap3A_622] {strides = array<i32>} : memref<8x8x1152xf32, #tpu.memory_space<vmem>>, vector<16xf32>,
        tpu.vector_store %arg12[%swap3A_620, %swap3A_621, %swap3A_622], %gather3A_552 {strides = array<i32>} : memref<8x8x1152xf32, #tpu.memory_space<vmem>>, vector<16xf32>,
        %gather3A_624 = arith.constant 0 : i32
        %gather3A_625 = tpu.memref_slice %arg9[%gather3A_624] : memref<34896xf32, #tpu.memory_space<vmem>> -> memref<4356xf32, #tpu.memory_space<vmem>>
        %gather3A_626 = tpu.vector_load_idx %gather3A_625[%min3A_439] : memref<4356xf32, #tpu.memory_space<vmem>>[vector<16xi32>], vector<16xf32>,
        %swap3A_627 = arith.constant 1 : i32
        %swap3A_628 = arith.constant 0 : i32
        %swap3A_629 = arith.index_cast %swap3A_627 : i32 to index
        %swap3A_630 = arith.index_cast %swap3A_628 : i32 to index
        %swap3A_631 = arith.index_cast %mul3A_387 : i32 to index
        %swap3A_632 = tpu.vector_load %arg12[%swap3A_629, %swap3A_630, %swap3A_631] {strides = array<i32>} : memref<8x8x1152xf32, #tpu.memory_space<vmem>>, vector<16xf32>,
        tpu.vector_store %arg12[%swap3A_629, %swap3A_630, %swap3A_631], %gather3A_555 {strides = array<i32>} : memref<8x8x1152xf32, #tpu.memory_space<vmem>>, vector<16xf32>,
        %gather3A_633 = arith.constant 4360 : i32
        %gather3A_634 = tpu.memref_slice %arg9[%gather3A_633] : memref<34896xf32, #tpu.memory_space<vmem>> -> memref<4356xf32, #tpu.memory_space<vmem>>
        %gather3A_635 = tpu.vector_load_idx %gather3A_634[%min3A_439] : memref<4356xf32, #tpu.memory_space<vmem>>[vector<16xi32>], vector<16xf32>,
        %swap3A_636 = arith.constant 1 : i32
        %swap3A_637 = arith.constant 1 : i32
        %swap3A_638 = arith.index_cast %swap3A_636 : i32 to index
        %swap3A_639 = arith.index_cast %swap3A_637 : i32 to index
        %swap3A_640 = arith.index_cast %mul3A_387 : i32 to index
        %swap3A_641 = tpu.vector_load %arg12[%swap3A_638, %swap3A_639, %swap3A_640] {strides = array<i32>} : memref<8x8x1152xf32, #tpu.memory_space<vmem>>, vector<16xf32>,
        tpu.vector_store %arg12[%swap3A_638, %swap3A_639, %swap3A_640], %gather3A_563 {strides = array<i32>} : memref<8x8x1152xf32, #tpu.memory_space<vmem>>, vector<16xf32>,
        %gather3A_642 = arith.constant 8720 : i32
        %gather3A_643 = tpu.memref_slice %arg9[%gather3A_642] : memref<34896xf32, #tpu.memory_space<vmem>> -> memref<4356xf32, #tpu.memory_space<vmem>>
        %gather3A_644 = tpu.vector_load_idx %gather3A_643[%min3A_439] : memref<4356xf32, #tpu.memory_space<vmem>>[vector<16xi32>], vector<16xf32>,
        %swap3A_645 = arith.constant 1 : i32
        %swap3A_646 = arith.constant 2 : i32
        %swap3A_647 = arith.index_cast %swap3A_645 : i32 to index
        %swap3A_648 = arith.index_cast %swap3A_646 : i32 to index
        %swap3A_649 = arith.index_cast %mul3A_387 : i32 to index
        %swap3A_650 = tpu.vector_load %arg12[%swap3A_647, %swap3A_648, %swap3A_649] {strides = array<i32>} : memref<8x8x1152xf32, #tpu.memory_space<vmem>>, vector<16xf32>,
        tpu.vector_store %arg12[%swap3A_647, %swap3A_648, %swap3A_649], %gather3A_572 {strides = array<i32>} : memref<8x8x1152xf32, #tpu.memory_space<vmem>>, vector<16xf32>,
        %gather3A_651 = arith.constant 13080 : i32
        %gather3A_652 = tpu.memref_slice %arg9[%gather3A_651] : memref<34896xf32, #tpu.memory_space<vmem>> -> memref<4356xf32, #tpu.memory_space<vmem>>
        %gather3A_653 = tpu.vector_load_idx %gather3A_652[%min3A_439] : memref<4356xf32, #tpu.memory_space<vmem>>[vector<16xi32>], vector<16xf32>,
        %swap3A_654 = arith.constant 1 : i32
        %swap3A_655 = arith.constant 3 : i32
        %swap3A_656 = arith.index_cast %swap3A_654 : i32 to index
        %swap3A_657 = arith.index_cast %swap3A_655 : i32 to index
        %swap3A_658 = arith.index_cast %mul3A_387 : i32 to index
        %swap3A_659 = tpu.vector_load %arg12[%swap3A_656, %swap3A_657, %swap3A_658] {strides = array<i32>} : memref<8x8x1152xf32, #tpu.memory_space<vmem>>, vector<16xf32>,
        tpu.vector_store %arg12[%swap3A_656, %swap3A_657, %swap3A_658], %gather3A_581 {strides = array<i32>} : memref<8x8x1152xf32, #tpu.memory_space<vmem>>, vector<16xf32>,
        %gather3A_660 = arith.constant 17440 : i32
        %gather3A_661 = tpu.memref_slice %arg9[%gather3A_660] : memref<34896xf32, #tpu.memory_space<vmem>> -> memref<4356xf32, #tpu.memory_space<vmem>>
        %gather3A_662 = tpu.vector_load_idx %gather3A_661[%min3A_439] : memref<4356xf32, #tpu.memory_space<vmem>>[vector<16xi32>], vector<16xf32>,
        %swap3A_663 = arith.constant 1 : i32
        %swap3A_664 = arith.constant 4 : i32
        %swap3A_665 = arith.index_cast %swap3A_663 : i32 to index
        %swap3A_666 = arith.index_cast %swap3A_664 : i32 to index
        %swap3A_667 = arith.index_cast %mul3A_387 : i32 to index
        %swap3A_668 = tpu.vector_load %arg12[%swap3A_665, %swap3A_666, %swap3A_667] {strides = array<i32>} : memref<8x8x1152xf32, #tpu.memory_space<vmem>>, vector<16xf32>,
        tpu.vector_store %arg12[%swap3A_665, %swap3A_666, %swap3A_667], %gather3A_590 {strides = array<i32>} : memref<8x8x1152xf32, #tpu.memory_space<vmem>>, vector<16xf32>,
        %gather3A_669 = arith.constant 21800 : i32
        %gather3A_670 = tpu.memref_slice %arg9[%gather3A_669] : memref<34896xf32, #tpu.memory_space<vmem>> -> memref<4356xf32, #tpu.memory_space<vmem>>
        %gather3A_671 = tpu.vector_load_idx %gather3A_670[%min3A_439] : memref<4356xf32, #tpu.memory_space<vmem>>[vector<16xi32>], vector<16xf32>,
        %swap3A_672 = arith.constant 1 : i32
        %swap3A_673 = arith.constant 5 : i32
        %swap3A_674 = arith.index_cast %swap3A_672 : i32 to index
        %swap3A_675 = arith.index_cast %swap3A_673 : i32 to index
        %swap3A_676 = arith.index_cast %mul3A_387 : i32 to index
        %swap3A_677 = tpu.vector_load %arg12[%swap3A_674, %swap3A_675, %swap3A_676] {strides = array<i32>} : memref<8x8x1152xf32, #tpu.memory_space<vmem>>, vector<16xf32>,
        tpu.vector_store %arg12[%swap3A_674, %swap3A_675, %swap3A_676], %gather3A_599 {strides = array<i32>} : memref<8x8x1152xf32, #tpu.memory_space<vmem>>, vector<16xf32>,
        %gather3A_678 = arith.constant 26160 : i32
        %gather3A_679 = tpu.memref_slice %arg9[%gather3A_678] : memref<34896xf32, #tpu.memory_space<vmem>> -> memref<4356xf32, #tpu.memory_space<vmem>>
        %gather3A_680 = tpu.vector_load_idx %gather3A_679[%min3A_439] : memref<4356xf32, #tpu.memory_space<vmem>>[vector<16xi32>], vector<16xf32>,
        %swap3A_681 = arith.constant 1 : i32
        %swap3A_682 = arith.constant 6 : i32
        %swap3A_683 = arith.index_cast %swap3A_681 : i32 to index
        %swap3A_684 = arith.index_cast %swap3A_682 : i32 to index
        %swap3A_685 = arith.index_cast %mul3A_387 : i32 to index
        %swap3A_686 = tpu.vector_load %arg12[%swap3A_683, %swap3A_684, %swap3A_685] {strides = array<i32>} : memref<8x8x1152xf32, #tpu.memory_space<vmem>>, vector<16xf32>,
        tpu.vector_store %arg12[%swap3A_683, %swap3A_684, %swap3A_685], %gather3A_608 {strides = array<i32>} : memref<8x8x1152xf32, #tpu.memory_space<vmem>>, vector<16xf32>,
        %gather3A_687 = arith.constant 30520 : i32
        %gather3A_688 = tpu.memref_slice %arg9[%gather3A_687] : memref<34896xf32, #tpu.memory_space<vmem>> -> memref<4356xf32, #tpu.memory_space<vmem>>
        %gather3A_689 = tpu.vector_load_idx %gather3A_688[%min3A_439] : memref<4356xf32, #tpu.memory_space<vmem>>[vector<16xi32>], vector<16xf32>,
        %swap3A_690 = arith.constant 1 : i32
        %swap3A_691 = arith.constant 7 : i32
        %swap3A_692 = arith.index_cast %swap3A_690 : i32 to index
        %swap3A_693 = arith.index_cast %swap3A_691 : i32 to index
        %swap3A_694 = arith.index_cast %mul3A_387 : i32 to index
        %swap3A_695 = tpu.vector_load %arg12[%swap3A_692, %swap3A_693, %swap3A_694] {strides = array<i32>} : memref<8x8x1152xf32, #tpu.memory_space<vmem>>, vector<16xf32>,
        tpu.vector_store %arg12[%swap3A_692, %swap3A_693, %swap3A_694], %gather3A_617 {strides = array<i32>} : memref<8x8x1152xf32, #tpu.memory_space<vmem>>, vector<16xf32>,
        %gather3A_696 = arith.constant 0 : i32
        %gather3A_697 = tpu.memref_slice %arg9[%gather3A_696] : memref<34896xf32, #tpu.memory_space<vmem>> -> memref<4356xf32, #tpu.memory_space<vmem>>
        %gather3A_698 = tpu.vector_load_idx %gather3A_697[%min3A_457] : memref<4356xf32, #tpu.memory_space<vmem>>[vector<16xi32>], vector<16xf32>,
        %swap3A_699 = arith.constant 2 : i32
        %swap3A_700 = arith.constant 0 : i32
        %swap3A_701 = arith.index_cast %swap3A_699 : i32 to index
        %swap3A_702 = arith.index_cast %swap3A_700 : i32 to index
        %swap3A_703 = arith.index_cast %mul3A_387 : i32 to index
        %swap3A_704 = tpu.vector_load %arg12[%swap3A_701, %swap3A_702, %swap3A_703] {strides = array<i32>} : memref<8x8x1152xf32, #tpu.memory_space<vmem>>, vector<16xf32>,
        tpu.vector_store %arg12[%swap3A_701, %swap3A_702, %swap3A_703], %gather3A_626 {strides = array<i32>} : memref<8x8x1152xf32, #tpu.memory_space<vmem>>, vector<16xf32>,
        %gather3A_705 = arith.constant 4360 : i32
        %gather3A_706 = tpu.memref_slice %arg9[%gather3A_705] : memref<34896xf32, #tpu.memory_space<vmem>> -> memref<4356xf32, #tpu.memory_space<vmem>>
        %gather3A_707 = tpu.vector_load_idx %gather3A_706[%min3A_457] : memref<4356xf32, #tpu.memory_space<vmem>>[vector<16xi32>], vector<16xf32>,
        %swap3A_708 = arith.constant 2 : i32
        %swap3A_709 = arith.constant 1 : i32
        %swap3A_710 = arith.index_cast %swap3A_708 : i32 to index
        %swap3A_711 = arith.index_cast %swap3A_709 : i32 to index
        %swap3A_712 = arith.index_cast %mul3A_387 : i32 to index
        %swap3A_713 = tpu.vector_load %arg12[%swap3A_710, %swap3A_711, %swap3A_712] {strides = array<i32>} : memref<8x8x1152xf32, #tpu.memory_space<vmem>>, vector<16xf32>,
        tpu.vector_store %arg12[%swap3A_710, %swap3A_711, %swap3A_712], %gather3A_635 {strides = array<i32>} : memref<8x8x1152xf32, #tpu.memory_space<vmem>>, vector<16xf32>,
        %gather3A_714 = arith.constant 8720 : i32
        %gather3A_715 = tpu.memref_slice %arg9[%gather3A_714] : memref<34896xf32, #tpu.memory_space<vmem>> -> memref<4356xf32, #tpu.memory_space<vmem>>
        %gather3A_716 = tpu.vector_load_idx %gather3A_715[%min3A_457] : memref<4356xf32, #tpu.memory_space<vmem>>[vector<16xi32>], vector<16xf32>,
        %swap3A_717 = arith.constant 2 : i32
        %swap3A_718 = arith.constant 2 : i32
        %swap3A_719 = arith.index_cast %swap3A_717 : i32 to index
        %swap3A_720 = arith.index_cast %swap3A_718 : i32 to index
        %swap3A_721 = arith.index_cast %mul3A_387 : i32 to index
        %swap3A_722 = tpu.vector_load %arg12[%swap3A_719, %swap3A_720, %swap3A_721] {strides = array<i32>} : memref<8x8x1152xf32, #tpu.memory_space<vmem>>, vector<16xf32>,
        tpu.vector_store %arg12[%swap3A_719, %swap3A_720, %swap3A_721], %gather3A_644 {strides = array<i32>} : memref<8x8x1152xf32, #tpu.memory_space<vmem>>, vector<16xf32>,
        %gather3A_723 = arith.constant 13080 : i32
        %gather3A_724 = tpu.memref_slice %arg9[%gather3A_723] : memref<34896xf32, #tpu.memory_space<vmem>> -> memref<4356xf32, #tpu.memory_space<vmem>>
        %gather3A_725 = tpu.vector_load_idx %gather3A_724[%min3A_457] : memref<4356xf32, #tpu.memory_space<vmem>>[vector<16xi32>], vector<16xf32>,
        %swap3A_726 = arith.constant 2 : i32
        %swap3A_727 = arith.constant 3 : i32
        %swap3A_728 = arith.index_cast %swap3A_726 : i32 to index
        %swap3A_729 = arith.index_cast %swap3A_727 : i32 to index
        %swap3A_730 = arith.index_cast %mul3A_387 : i32 to index
        %swap3A_731 = tpu.vector_load %arg12[%swap3A_728, %swap3A_729, %swap3A_730] {strides = array<i32>} : memref<8x8x1152xf32, #tpu.memory_space<vmem>>, vector<16xf32>,
        tpu.vector_store %arg12[%swap3A_728, %swap3A_729, %swap3A_730], %gather3A_653 {strides = array<i32>} : memref<8x8x1152xf32, #tpu.memory_space<vmem>>, vector<16xf32>,
        %gather3A_732 = arith.constant 17440 : i32
        %gather3A_733 = tpu.memref_slice %arg9[%gather3A_732] : memref<34896xf32, #tpu.memory_space<vmem>> -> memref<4356xf32, #tpu.memory_space<vmem>>
        %gather3A_734 = tpu.vector_load_idx %gather3A_733[%min3A_457] : memref<4356xf32, #tpu.memory_space<vmem>>[vector<16xi32>], vector<16xf32>,
        %swap3A_735 = arith.constant 2 : i32
        %swap3A_736 = arith.constant 4 : i32
        %swap3A_737 = arith.index_cast %swap3A_735 : i32 to index
        %swap3A_738 = arith.index_cast %swap3A_736 : i32 to index
        %swap3A_739 = arith.index_cast %mul3A_387 : i32 to index
        %swap3A_740 = tpu.vector_load %arg12[%swap3A_737, %swap3A_738, %swap3A_739] {strides = array<i32>} : memref<8x8x1152xf32, #tpu.memory_space<vmem>>, vector<16xf32>,
        tpu.vector_store %arg12[%swap3A_737, %swap3A_738, %swap3A_739], %gather3A_662 {strides = array<i32>} : memref<8x8x1152xf32, #tpu.memory_space<vmem>>, vector<16xf32>,
        %gather3A_741 = arith.constant 21800 : i32
        %gather3A_742 = tpu.memref_slice %arg9[%gather3A_741] : memref<34896xf32, #tpu.memory_space<vmem>> -> memref<4356xf32, #tpu.memory_space<vmem>>
        %gather3A_743 = tpu.vector_load_idx %gather3A_742[%min3A_457] : memref<4356xf32, #tpu.memory_space<vmem>>[vector<16xi32>], vector<16xf32>,
        %swap3A_744 = arith.constant 2 : i32
        %swap3A_745 = arith.constant 5 : i32
        %swap3A_746 = arith.index_cast %swap3A_744 : i32 to index
        %swap3A_747 = arith.index_cast %swap3A_745 : i32 to index
        %swap3A_748 = arith.index_cast %mul3A_387 : i32 to index
        %swap3A_749 = tpu.vector_load %arg12[%swap3A_746, %swap3A_747, %swap3A_748] {strides = array<i32>} : memref<8x8x1152xf32, #tpu.memory_space<vmem>>, vector<16xf32>,
        tpu.vector_store %arg12[%swap3A_746, %swap3A_747, %swap3A_748], %gather3A_671 {strides = array<i32>} : memref<8x8x1152xf32, #tpu.memory_space<vmem>>, vector<16xf32>,
        %gather3A_750 = arith.constant 26160 : i32
        %gather3A_751 = tpu.memref_slice %arg9[%gather3A_750] : memref<34896xf32, #tpu.memory_space<vmem>> -> memref<4356xf32, #tpu.memory_space<vmem>>
        %gather3A_752 = tpu.vector_load_idx %gather3A_751[%min3A_457] : memref<4356xf32, #tpu.memory_space<vmem>>[vector<16xi32>], vector<16xf32>,
        %swap3A_753 = arith.constant 2 : i32
        %swap3A_754 = arith.constant 6 : i32
        %swap3A_755 = arith.index_cast %swap3A_753 : i32 to index
        %swap3A_756 = arith.index_cast %swap3A_754 : i32 to index
        %swap3A_757 = arith.index_cast %mul3A_387 : i32 to index
        %swap3A_758 = tpu.vector_load %arg12[%swap3A_755, %swap3A_756, %swap3A_757] {strides = array<i32>} : memref<8x8x1152xf32, #tpu.memory_space<vmem>>, vector<16xf32>,
        tpu.vector_store %arg12[%swap3A_755, %swap3A_756, %swap3A_757], %gather3A_680 {strides = array<i32>} : memref<8x8x1152xf32, #tpu.memory_space<vmem>>, vector<16xf32>,
        %gather3A_759 = arith.constant 30520 : i32
        %gather3A_760 = tpu.memref_slice %arg9[%gather3A_759] : memref<34896xf32, #tpu.memory_space<vmem>> -> memref<4356xf32, #tpu.memory_space<vmem>>
        %gather3A_761 = tpu.vector_load_idx %gather3A_760[%min3A_457] : memref<4356xf32, #tpu.memory_space<vmem>>[vector<16xi32>], vector<16xf32>,
        %swap3A_762 = arith.constant 2 : i32
        %swap3A_763 = arith.constant 7 : i32
        %swap3A_764 = arith.index_cast %swap3A_762 : i32 to index
        %swap3A_765 = arith.index_cast %swap3A_763 : i32 to index
        %swap3A_766 = arith.index_cast %mul3A_387 : i32 to index
        %swap3A_767 = tpu.vector_load %arg12[%swap3A_764, %swap3A_765, %swap3A_766] {strides = array<i32>} : memref<8x8x1152xf32, #tpu.memory_space<vmem>>, vector<16xf32>,
        tpu.vector_store %arg12[%swap3A_764, %swap3A_765, %swap3A_766], %gather3A_689 {strides = array<i32>} : memref<8x8x1152xf32, #tpu.memory_space<vmem>>, vector<16xf32>,
        %gather3A_768 = arith.constant 0 : i32
        %gather3A_769 = tpu.memref_slice %arg9[%gather3A_768] : memref<34896xf32, #tpu.memory_space<vmem>> -> memref<4356xf32, #tpu.memory_space<vmem>>
        %gather3A_770 = tpu.vector_load_idx %gather3A_769[%min3A_475] : memref<4356xf32, #tpu.memory_space<vmem>>[vector<16xi32>], vector<16xf32>,
        %swap3A_771 = arith.constant 3 : i32
        %swap3A_772 = arith.constant 0 : i32
        %swap3A_773 = arith.index_cast %swap3A_771 : i32 to index
        %swap3A_774 = arith.index_cast %swap3A_772 : i32 to index
        %swap3A_775 = arith.index_cast %mul3A_387 : i32 to index
        %swap3A_776 = tpu.vector_load %arg12[%swap3A_773, %swap3A_774, %swap3A_775] {strides = array<i32>} : memref<8x8x1152xf32, #tpu.memory_space<vmem>>, vector<16xf32>,
        tpu.vector_store %arg12[%swap3A_773, %swap3A_774, %swap3A_775], %gather3A_698 {strides = array<i32>} : memref<8x8x1152xf32, #tpu.memory_space<vmem>>, vector<16xf32>,
        %gather3A_777 = arith.constant 4360 : i32
        %gather3A_778 = tpu.memref_slice %arg9[%gather3A_777] : memref<34896xf32, #tpu.memory_space<vmem>> -> memref<4356xf32, #tpu.memory_space<vmem>>
        %gather3A_779 = tpu.vector_load_idx %gather3A_778[%min3A_475] : memref<4356xf32, #tpu.memory_space<vmem>>[vector<16xi32>], vector<16xf32>,
        %swap3A_780 = arith.constant 3 : i32
        %swap3A_781 = arith.constant 1 : i32
        %swap3A_782 = arith.index_cast %swap3A_780 : i32 to index
        %swap3A_783 = arith.index_cast %swap3A_781 : i32 to index
        %swap3A_784 = arith.index_cast %mul3A_387 : i32 to index
        %swap3A_785 = tpu.vector_load %arg12[%swap3A_782, %swap3A_783, %swap3A_784] {strides = array<i32>} : memref<8x8x1152xf32, #tpu.memory_space<vmem>>, vector<16xf32>,
        tpu.vector_store %arg12[%swap3A_782, %swap3A_783, %swap3A_784], %gather3A_707 {strides = array<i32>} : memref<8x8x1152xf32, #tpu.memory_space<vmem>>, vector<16xf32>,
        %gather3A_786 = arith.constant 8720 : i32
        %gather3A_787 = tpu.memref_slice %arg9[%gather3A_786] : memref<34896xf32, #tpu.memory_space<vmem>> -> memref<4356xf32, #tpu.memory_space<vmem>>
        %gather3A_788 = tpu.vector_load_idx %gather3A_787[%min3A_475] : memref<4356xf32, #tpu.memory_space<vmem>>[vector<16xi32>], vector<16xf32>,
        %swap3A_789 = arith.constant 3 : i32
        %swap3A_790 = arith.constant 2 : i32
        %swap3A_791 = arith.index_cast %swap3A_789 : i32 to index
        %swap3A_792 = arith.index_cast %swap3A_790 : i32 to index
        %swap3A_793 = arith.index_cast %mul3A_387 : i32 to index
        %swap3A_794 = tpu.vector_load %arg12[%swap3A_791, %swap3A_792, %swap3A_793] {strides = array<i32>} : memref<8x8x1152xf32, #tpu.memory_space<vmem>>, vector<16xf32>,
        tpu.vector_store %arg12[%swap3A_791, %swap3A_792, %swap3A_793], %gather3A_716 {strides = array<i32>} : memref<8x8x1152xf32, #tpu.memory_space<vmem>>, vector<16xf32>,
        %gather3A_795 = arith.constant 13080 : i32
        %gather3A_796 = tpu.memref_slice %arg9[%gather3A_795] : memref<34896xf32, #tpu.memory_space<vmem>> -> memref<4356xf32, #tpu.memory_space<vmem>>
        %gather3A_797 = tpu.vector_load_idx %gather3A_796[%min3A_475] : memref<4356xf32, #tpu.memory_space<vmem>>[vector<16xi32>], vector<16xf32>,
        %swap3A_798 = arith.constant 3 : i32
        %swap3A_799 = arith.constant 3 : i32
        %swap3A_800 = arith.index_cast %swap3A_798 : i32 to index
        %swap3A_801 = arith.index_cast %swap3A_799 : i32 to index
        %swap3A_802 = arith.index_cast %mul3A_387 : i32 to index
        %swap3A_803 = tpu.vector_load %arg12[%swap3A_800, %swap3A_801, %swap3A_802] {strides = array<i32>} : memref<8x8x1152xf32, #tpu.memory_space<vmem>>, vector<16xf32>,
        tpu.vector_store %arg12[%swap3A_800, %swap3A_801, %swap3A_802], %gather3A_725 {strides = array<i32>} : memref<8x8x1152xf32, #tpu.memory_space<vmem>>, vector<16xf32>,
        %gather3A_804 = arith.constant 17440 : i32
        %gather3A_805 = tpu.memref_slice %arg9[%gather3A_804] : memref<34896xf32, #tpu.memory_space<vmem>> -> memref<4356xf32, #tpu.memory_space<vmem>>
        %gather3A_806 = tpu.vector_load_idx %gather3A_805[%min3A_475] : memref<4356xf32, #tpu.memory_space<vmem>>[vector<16xi32>], vector<16xf32>,
        %swap3A_807 = arith.constant 3 : i32
        %swap3A_808 = arith.constant 4 : i32
        %swap3A_809 = arith.index_cast %swap3A_807 : i32 to index
        %swap3A_810 = arith.index_cast %swap3A_808 : i32 to index
        %swap3A_811 = arith.index_cast %mul3A_387 : i32 to index
        %swap3A_812 = tpu.vector_load %arg12[%swap3A_809, %swap3A_810, %swap3A_811] {strides = array<i32>} : memref<8x8x1152xf32, #tpu.memory_space<vmem>>, vector<16xf32>,
        tpu.vector_store %arg12[%swap3A_809, %swap3A_810, %swap3A_811], %gather3A_734 {strides = array<i32>} : memref<8x8x1152xf32, #tpu.memory_space<vmem>>, vector<16xf32>,
        %gather3A_813 = arith.constant 21800 : i32
        %gather3A_814 = tpu.memref_slice %arg9[%gather3A_813] : memref<34896xf32, #tpu.memory_space<vmem>> -> memref<4356xf32, #tpu.memory_space<vmem>>
        %gather3A_815 = tpu.vector_load_idx %gather3A_814[%min3A_475] : memref<4356xf32, #tpu.memory_space<vmem>>[vector<16xi32>], vector<16xf32>,
        %swap3A_816 = arith.constant 3 : i32
        %swap3A_817 = arith.constant 5 : i32
        %swap3A_818 = arith.index_cast %swap3A_816 : i32 to index
        %swap3A_819 = arith.index_cast %swap3A_817 : i32 to index
        %swap3A_820 = arith.index_cast %mul3A_387 : i32 to index
        %swap3A_821 = tpu.vector_load %arg12[%swap3A_818, %swap3A_819, %swap3A_820] {strides = array<i32>} : memref<8x8x1152xf32, #tpu.memory_space<vmem>>, vector<16xf32>,
        tpu.vector_store %arg12[%swap3A_818, %swap3A_819, %swap3A_820], %gather3A_743 {strides = array<i32>} : memref<8x8x1152xf32, #tpu.memory_space<vmem>>, vector<16xf32>,
        %gather3A_822 = arith.constant 26160 : i32
        %gather3A_823 = tpu.memref_slice %arg9[%gather3A_822] : memref<34896xf32, #tpu.memory_space<vmem>> -> memref<4356xf32, #tpu.memory_space<vmem>>
        %gather3A_824 = tpu.vector_load_idx %gather3A_823[%min3A_475] : memref<4356xf32, #tpu.memory_space<vmem>>[vector<16xi32>], vector<16xf32>,
        %swap3A_825 = arith.constant 3 : i32
        %swap3A_826 = arith.constant 6 : i32
        %swap3A_827 = arith.index_cast %swap3A_825 : i32 to index
        %swap3A_828 = arith.index_cast %swap3A_826 : i32 to index
        %swap3A_829 = arith.index_cast %mul3A_387 : i32 to index
        %swap3A_830 = tpu.vector_load %arg12[%swap3A_827, %swap3A_828, %swap3A_829] {strides = array<i32>} : memref<8x8x1152xf32, #tpu.memory_space<vmem>>, vector<16xf32>,
        tpu.vector_store %arg12[%swap3A_827, %swap3A_828, %swap3A_829], %gather3A_752 {strides = array<i32>} : memref<8x8x1152xf32, #tpu.memory_space<vmem>>, vector<16xf32>,
        %gather3A_831 = arith.constant 30520 : i32
        %gather3A_832 = tpu.memref_slice %arg9[%gather3A_831] : memref<34896xf32, #tpu.memory_space<vmem>> -> memref<4356xf32, #tpu.memory_space<vmem>>
        %gather3A_833 = tpu.vector_load_idx %gather3A_832[%min3A_475] : memref<4356xf32, #tpu.memory_space<vmem>>[vector<16xi32>], vector<16xf32>,
        %swap3A_834 = arith.constant 3 : i32
        %swap3A_835 = arith.constant 7 : i32
        %swap3A_836 = arith.index_cast %swap3A_834 : i32 to index
        %swap3A_837 = arith.index_cast %swap3A_835 : i32 to index
        %swap3A_838 = arith.index_cast %mul3A_387 : i32 to index
        %swap3A_839 = tpu.vector_load %arg12[%swap3A_836, %swap3A_837, %swap3A_838] {strides = array<i32>} : memref<8x8x1152xf32, #tpu.memory_space<vmem>>, vector<16xf32>,
        tpu.vector_store %arg12[%swap3A_836, %swap3A_837, %swap3A_838], %gather3A_761 {strides = array<i32>} : memref<8x8x1152xf32, #tpu.memory_space<vmem>>, vector<16xf32>,
        %gather3A_840 = arith.constant 0 : i32
        %gather3A_841 = tpu.memref_slice %arg9[%gather3A_840] : memref<34896xf32, #tpu.memory_space<vmem>> -> memref<4356xf32, #tpu.memory_space<vmem>>
        %gather3A_842 = tpu.vector_load_idx %gather3A_841[%min3A_493] : memref<4356xf32, #tpu.memory_space<vmem>>[vector<16xi32>], vector<16xf32>,
        %swap3A_843 = arith.constant 4 : i32
        %swap3A_844 = arith.constant 0 : i32
        %swap3A_845 = arith.index_cast %swap3A_843 : i32 to index
        %swap3A_846 = arith.index_cast %swap3A_844 : i32 to index
        %swap3A_847 = arith.index_cast %mul3A_387 : i32 to index
        %swap3A_848 = tpu.vector_load %arg12[%swap3A_845, %swap3A_846, %swap3A_847] {strides = array<i32>} : memref<8x8x1152xf32, #tpu.memory_space<vmem>>, vector<16xf32>,
        tpu.vector_store %arg12[%swap3A_845, %swap3A_846, %swap3A_847], %gather3A_770 {strides = array<i32>} : memref<8x8x1152xf32, #tpu.memory_space<vmem>>, vector<16xf32>,
        %gather3A_849 = arith.constant 4360 : i32
        %gather3A_850 = tpu.memref_slice %arg9[%gather3A_849] : memref<34896xf32, #tpu.memory_space<vmem>> -> memref<4356xf32, #tpu.memory_space<vmem>>
        %gather3A_851 = tpu.vector_load_idx %gather3A_850[%min3A_493] : memref<4356xf32, #tpu.memory_space<vmem>>[vector<16xi32>], vector<16xf32>,
        %swap3A_852 = arith.constant 4 : i32
        %swap3A_853 = arith.constant 1 : i32
        %swap3A_854 = arith.index_cast %swap3A_852 : i32 to index
        %swap3A_855 = arith.index_cast %swap3A_853 : i32 to index
        %swap3A_856 = arith.index_cast %mul3A_387 : i32 to index
        %swap3A_857 = tpu.vector_load %arg12[%swap3A_854, %swap3A_855, %swap3A_856] {strides = array<i32>} : memref<8x8x1152xf32, #tpu.memory_space<vmem>>, vector<16xf32>,
        tpu.vector_store %arg12[%swap3A_854, %swap3A_855, %swap3A_856], %gather3A_779 {strides = array<i32>} : memref<8x8x1152xf32, #tpu.memory_space<vmem>>, vector<16xf32>,
        %gather3A_858 = arith.constant 8720 : i32
        %gather3A_859 = tpu.memref_slice %arg9[%gather3A_858] : memref<34896xf32, #tpu.memory_space<vmem>> -> memref<4356xf32, #tpu.memory_space<vmem>>
        %gather3A_860 = tpu.vector_load_idx %gather3A_859[%min3A_493] : memref<4356xf32, #tpu.memory_space<vmem>>[vector<16xi32>], vector<16xf32>,
        %swap3A_861 = arith.constant 4 : i32
        %swap3A_862 = arith.constant 2 : i32
        %swap3A_863 = arith.index_cast %swap3A_861 : i32 to index
        %swap3A_864 = arith.index_cast %swap3A_862 : i32 to index
        %swap3A_865 = arith.index_cast %mul3A_387 : i32 to index
        %swap3A_866 = tpu.vector_load %arg12[%swap3A_863, %swap3A_864, %swap3A_865] {strides = array<i32>} : memref<8x8x1152xf32, #tpu.memory_space<vmem>>, vector<16xf32>,
        tpu.vector_store %arg12[%swap3A_863, %swap3A_864, %swap3A_865], %gather3A_788 {strides = array<i32>} : memref<8x8x1152xf32, #tpu.memory_space<vmem>>, vector<16xf32>,
        %gather3A_867 = arith.constant 13080 : i32
        %gather3A_868 = tpu.memref_slice %arg9[%gather3A_867] : memref<34896xf32, #tpu.memory_space<vmem>> -> memref<4356xf32, #tpu.memory_space<vmem>>
        %gather3A_869 = tpu.vector_load_idx %gather3A_868[%min3A_493] : memref<4356xf32, #tpu.memory_space<vmem>>[vector<16xi32>], vector<16xf32>,
        %swap3A_870 = arith.constant 4 : i32
        %swap3A_871 = arith.constant 3 : i32
        %swap3A_872 = arith.index_cast %swap3A_870 : i32 to index
        %swap3A_873 = arith.index_cast %swap3A_871 : i32 to index
        %swap3A_874 = arith.index_cast %mul3A_387 : i32 to index
        %swap3A_875 = tpu.vector_load %arg12[%swap3A_872, %swap3A_873, %swap3A_874] {strides = array<i32>} : memref<8x8x1152xf32, #tpu.memory_space<vmem>>, vector<16xf32>,
        tpu.vector_store %arg12[%swap3A_872, %swap3A_873, %swap3A_874], %gather3A_797 {strides = array<i32>} : memref<8x8x1152xf32, #tpu.memory_space<vmem>>, vector<16xf32>,
        %gather3A_876 = arith.constant 17440 : i32
        %gather3A_877 = tpu.memref_slice %arg9[%gather3A_876] : memref<34896xf32, #tpu.memory_space<vmem>> -> memref<4356xf32, #tpu.memory_space<vmem>>
        %gather3A_878 = tpu.vector_load_idx %gather3A_877[%min3A_493] : memref<4356xf32, #tpu.memory_space<vmem>>[vector<16xi32>], vector<16xf32>,
        %swap3A_879 = arith.constant 4 : i32
        %swap3A_880 = arith.constant 4 : i32
        %swap3A_881 = arith.index_cast %swap3A_879 : i32 to index
        %swap3A_882 = arith.index_cast %swap3A_880 : i32 to index
        %swap3A_883 = arith.index_cast %mul3A_387 : i32 to index
        %swap3A_884 = tpu.vector_load %arg12[%swap3A_881, %swap3A_882, %swap3A_883] {strides = array<i32>} : memref<8x8x1152xf32, #tpu.memory_space<vmem>>, vector<16xf32>,
        tpu.vector_store %arg12[%swap3A_881, %swap3A_882, %swap3A_883], %gather3A_806 {strides = array<i32>} : memref<8x8x1152xf32, #tpu.memory_space<vmem>>, vector<16xf32>,
        %gather3A_885 = arith.constant 21800 : i32
        %gather3A_886 = tpu.memref_slice %arg9[%gather3A_885] : memref<34896xf32, #tpu.memory_space<vmem>> -> memref<4356xf32, #tpu.memory_space<vmem>>
        %gather3A_887 = tpu.vector_load_idx %gather3A_886[%min3A_493] : memref<4356xf32, #tpu.memory_space<vmem>>[vector<16xi32>], vector<16xf32>,
        %swap3A_888 = arith.constant 4 : i32
        %swap3A_889 = arith.constant 5 : i32
        %swap3A_890 = arith.index_cast %swap3A_888 : i32 to index
        %swap3A_891 = arith.index_cast %swap3A_889 : i32 to index
        %swap3A_892 = arith.index_cast %mul3A_387 : i32 to index
        %swap3A_893 = tpu.vector_load %arg12[%swap3A_890, %swap3A_891, %swap3A_892] {strides = array<i32>} : memref<8x8x1152xf32, #tpu.memory_space<vmem>>, vector<16xf32>,
        tpu.vector_store %arg12[%swap3A_890, %swap3A_891, %swap3A_892], %gather3A_815 {strides = array<i32>} : memref<8x8x1152xf32, #tpu.memory_space<vmem>>, vector<16xf32>,
        %gather3A_894 = arith.constant 26160 : i32
        %gather3A_895 = tpu.memref_slice %arg9[%gather3A_894] : memref<34896xf32, #tpu.memory_space<vmem>> -> memref<4356xf32, #tpu.memory_space<vmem>>
        %gather3A_896 = tpu.vector_load_idx %gather3A_895[%min3A_493] : memref<4356xf32, #tpu.memory_space<vmem>>[vector<16xi32>], vector<16xf32>,
        %swap3A_897 = arith.constant 4 : i32
        %swap3A_898 = arith.constant 6 : i32
        %swap3A_899 = arith.index_cast %swap3A_897 : i32 to index
        %swap3A_900 = arith.index_cast %swap3A_898 : i32 to index
        %swap3A_901 = arith.index_cast %mul3A_387 : i32 to index
        %swap3A_902 = tpu.vector_load %arg12[%swap3A_899, %swap3A_900, %swap3A_901] {strides = array<i32>} : memref<8x8x1152xf32, #tpu.memory_space<vmem>>, vector<16xf32>,
        tpu.vector_store %arg12[%swap3A_899, %swap3A_900, %swap3A_901], %gather3A_824 {strides = array<i32>} : memref<8x8x1152xf32, #tpu.memory_space<vmem>>, vector<16xf32>,
        %gather3A_903 = arith.constant 30520 : i32
        %gather3A_904 = tpu.memref_slice %arg9[%gather3A_903] : memref<34896xf32, #tpu.memory_space<vmem>> -> memref<4356xf32, #tpu.memory_space<vmem>>
        %gather3A_905 = tpu.vector_load_idx %gather3A_904[%min3A_493] : memref<4356xf32, #tpu.memory_space<vmem>>[vector<16xi32>], vector<16xf32>,
        %swap3A_906 = arith.constant 4 : i32
        %swap3A_907 = arith.constant 7 : i32
        %swap3A_908 = arith.index_cast %swap3A_906 : i32 to index
        %swap3A_909 = arith.index_cast %swap3A_907 : i32 to index
        %swap3A_910 = arith.index_cast %mul3A_387 : i32 to index
        %swap3A_911 = tpu.vector_load %arg12[%swap3A_908, %swap3A_909, %swap3A_910] {strides = array<i32>} : memref<8x8x1152xf32, #tpu.memory_space<vmem>>, vector<16xf32>,
        tpu.vector_store %arg12[%swap3A_908, %swap3A_909, %swap3A_910], %gather3A_833 {strides = array<i32>} : memref<8x8x1152xf32, #tpu.memory_space<vmem>>, vector<16xf32>,
        %gather3A_912 = arith.constant 0 : i32
        %gather3A_913 = tpu.memref_slice %arg9[%gather3A_912] : memref<34896xf32, #tpu.memory_space<vmem>> -> memref<4356xf32, #tpu.memory_space<vmem>>
        %gather3A_914 = tpu.vector_load_idx %gather3A_913[%min3A_511] : memref<4356xf32, #tpu.memory_space<vmem>>[vector<16xi32>], vector<16xf32>,
        %swap3A_915 = arith.constant 5 : i32
        %swap3A_916 = arith.constant 0 : i32
        %swap3A_917 = arith.index_cast %swap3A_915 : i32 to index
        %swap3A_918 = arith.index_cast %swap3A_916 : i32 to index
        %swap3A_919 = arith.index_cast %mul3A_387 : i32 to index
        %swap3A_920 = tpu.vector_load %arg12[%swap3A_917, %swap3A_918, %swap3A_919] {strides = array<i32>} : memref<8x8x1152xf32, #tpu.memory_space<vmem>>, vector<16xf32>,
        tpu.vector_store %arg12[%swap3A_917, %swap3A_918, %swap3A_919], %gather3A_842 {strides = array<i32>} : memref<8x8x1152xf32, #tpu.memory_space<vmem>>, vector<16xf32>,
        %gather3A_921 = arith.constant 4360 : i32
        %gather3A_922 = tpu.memref_slice %arg9[%gather3A_921] : memref<34896xf32, #tpu.memory_space<vmem>> -> memref<4356xf32, #tpu.memory_space<vmem>>
        %gather3A_923 = tpu.vector_load_idx %gather3A_922[%min3A_511] : memref<4356xf32, #tpu.memory_space<vmem>>[vector<16xi32>], vector<16xf32>,
        %swap3A_924 = arith.constant 5 : i32
        %swap3A_925 = arith.constant 1 : i32
        %swap3A_926 = arith.index_cast %swap3A_924 : i32 to index
        %swap3A_927 = arith.index_cast %swap3A_925 : i32 to index
        %swap3A_928 = arith.index_cast %mul3A_387 : i32 to index
        %swap3A_929 = tpu.vector_load %arg12[%swap3A_926, %swap3A_927, %swap3A_928] {strides = array<i32>} : memref<8x8x1152xf32, #tpu.memory_space<vmem>>, vector<16xf32>,
        tpu.vector_store %arg12[%swap3A_926, %swap3A_927, %swap3A_928], %gather3A_851 {strides = array<i32>} : memref<8x8x1152xf32, #tpu.memory_space<vmem>>, vector<16xf32>,
        %gather3A_930 = arith.constant 8720 : i32
        %gather3A_931 = tpu.memref_slice %arg9[%gather3A_930] : memref<34896xf32, #tpu.memory_space<vmem>> -> memref<4356xf32, #tpu.memory_space<vmem>>
        %gather3A_932 = tpu.vector_load_idx %gather3A_931[%min3A_511] : memref<4356xf32, #tpu.memory_space<vmem>>[vector<16xi32>], vector<16xf32>,
        %swap3A_933 = arith.constant 5 : i32
        %swap3A_934 = arith.constant 2 : i32
        %swap3A_935 = arith.index_cast %swap3A_933 : i32 to index
        %swap3A_936 = arith.index_cast %swap3A_934 : i32 to index
        %swap3A_937 = arith.index_cast %mul3A_387 : i32 to index
        %swap3A_938 = tpu.vector_load %arg12[%swap3A_935, %swap3A_936, %swap3A_937] {strides = array<i32>} : memref<8x8x1152xf32, #tpu.memory_space<vmem>>, vector<16xf32>,
        tpu.vector_store %arg12[%swap3A_935, %swap3A_936, %swap3A_937], %gather3A_860 {strides = array<i32>} : memref<8x8x1152xf32, #tpu.memory_space<vmem>>, vector<16xf32>,
        %gather3A_939 = arith.constant 13080 : i32
        %gather3A_940 = tpu.memref_slice %arg9[%gather3A_939] : memref<34896xf32, #tpu.memory_space<vmem>> -> memref<4356xf32, #tpu.memory_space<vmem>>
        %gather3A_941 = tpu.vector_load_idx %gather3A_940[%min3A_511] : memref<4356xf32, #tpu.memory_space<vmem>>[vector<16xi32>], vector<16xf32>,
        %swap3A_942 = arith.constant 5 : i32
        %swap3A_943 = arith.constant 3 : i32
        %swap3A_944 = arith.index_cast %swap3A_942 : i32 to index
        %swap3A_945 = arith.index_cast %swap3A_943 : i32 to index
        %swap3A_946 = arith.index_cast %mul3A_387 : i32 to index
        %swap3A_947 = tpu.vector_load %arg12[%swap3A_944, %swap3A_945, %swap3A_946] {strides = array<i32>} : memref<8x8x1152xf32, #tpu.memory_space<vmem>>, vector<16xf32>,
        tpu.vector_store %arg12[%swap3A_944, %swap3A_945, %swap3A_946], %gather3A_869 {strides = array<i32>} : memref<8x8x1152xf32, #tpu.memory_space<vmem>>, vector<16xf32>,
        %gather3A_948 = arith.constant 17440 : i32
        %gather3A_949 = tpu.memref_slice %arg9[%gather3A_948] : memref<34896xf32, #tpu.memory_space<vmem>> -> memref<4356xf32, #tpu.memory_space<vmem>>
        %gather3A_950 = tpu.vector_load_idx %gather3A_949[%min3A_511] : memref<4356xf32, #tpu.memory_space<vmem>>[vector<16xi32>], vector<16xf32>,
        %swap3A_951 = arith.constant 5 : i32
        %swap3A_952 = arith.constant 4 : i32
        %swap3A_953 = arith.index_cast %swap3A_951 : i32 to index
        %swap3A_954 = arith.index_cast %swap3A_952 : i32 to index
        %swap3A_955 = arith.index_cast %mul3A_387 : i32 to index
        %swap3A_956 = tpu.vector_load %arg12[%swap3A_953, %swap3A_954, %swap3A_955] {strides = array<i32>} : memref<8x8x1152xf32, #tpu.memory_space<vmem>>, vector<16xf32>,
        tpu.vector_store %arg12[%swap3A_953, %swap3A_954, %swap3A_955], %gather3A_878 {strides = array<i32>} : memref<8x8x1152xf32, #tpu.memory_space<vmem>>, vector<16xf32>,
        %gather3A_957 = arith.constant 21800 : i32
        %gather3A_958 = tpu.memref_slice %arg9[%gather3A_957] : memref<34896xf32, #tpu.memory_space<vmem>> -> memref<4356xf32, #tpu.memory_space<vmem>>
        %gather3A_959 = tpu.vector_load_idx %gather3A_958[%min3A_511] : memref<4356xf32, #tpu.memory_space<vmem>>[vector<16xi32>], vector<16xf32>,
        %swap3A_960 = arith.constant 5 : i32
        %swap3A_961 = arith.constant 5 : i32
        %swap3A_962 = arith.index_cast %swap3A_960 : i32 to index
        %swap3A_963 = arith.index_cast %swap3A_961 : i32 to index
        %swap3A_964 = arith.index_cast %mul3A_387 : i32 to index
        %swap3A_965 = tpu.vector_load %arg12[%swap3A_962, %swap3A_963, %swap3A_964] {strides = array<i32>} : memref<8x8x1152xf32, #tpu.memory_space<vmem>>, vector<16xf32>,
        tpu.vector_store %arg12[%swap3A_962, %swap3A_963, %swap3A_964], %gather3A_887 {strides = array<i32>} : memref<8x8x1152xf32, #tpu.memory_space<vmem>>, vector<16xf32>,
        %gather3A_966 = arith.constant 26160 : i32
        %gather3A_967 = tpu.memref_slice %arg9[%gather3A_966] : memref<34896xf32, #tpu.memory_space<vmem>> -> memref<4356xf32, #tpu.memory_space<vmem>>
        %gather3A_968 = tpu.vector_load_idx %gather3A_967[%min3A_511] : memref<4356xf32, #tpu.memory_space<vmem>>[vector<16xi32>], vector<16xf32>,
        %swap3A_969 = arith.constant 5 : i32
        %swap3A_970 = arith.constant 6 : i32
        %swap3A_971 = arith.index_cast %swap3A_969 : i32 to index
        %swap3A_972 = arith.index_cast %swap3A_970 : i32 to index
        %swap3A_973 = arith.index_cast %mul3A_387 : i32 to index
        %swap3A_974 = tpu.vector_load %arg12[%swap3A_971, %swap3A_972, %swap3A_973] {strides = array<i32>} : memref<8x8x1152xf32, #tpu.memory_space<vmem>>, vector<16xf32>,
        tpu.vector_store %arg12[%swap3A_971, %swap3A_972, %swap3A_973], %gather3A_896 {strides = array<i32>} : memref<8x8x1152xf32, #tpu.memory_space<vmem>>, vector<16xf32>,
        %gather3A_975 = arith.constant 30520 : i32
        %gather3A_976 = tpu.memref_slice %arg9[%gather3A_975] : memref<34896xf32, #tpu.memory_space<vmem>> -> memref<4356xf32, #tpu.memory_space<vmem>>
        %gather3A_977 = tpu.vector_load_idx %gather3A_976[%min3A_511] : memref<4356xf32, #tpu.memory_space<vmem>>[vector<16xi32>], vector<16xf32>,
        %swap3A_978 = arith.constant 5 : i32
        %swap3A_979 = arith.constant 7 : i32
        %swap3A_980 = arith.index_cast %swap3A_978 : i32 to index
        %swap3A_981 = arith.index_cast %swap3A_979 : i32 to index
        %swap3A_982 = arith.index_cast %mul3A_387 : i32 to index
        %swap3A_983 = tpu.vector_load %arg12[%swap3A_980, %swap3A_981, %swap3A_982] {strides = array<i32>} : memref<8x8x1152xf32, #tpu.memory_space<vmem>>, vector<16xf32>,
        tpu.vector_store %arg12[%swap3A_980, %swap3A_981, %swap3A_982], %gather3A_905 {strides = array<i32>} : memref<8x8x1152xf32, #tpu.memory_space<vmem>>, vector<16xf32>,
        %gather3A_984 = arith.constant 0 : i32
        %gather3A_985 = tpu.memref_slice %arg9[%gather3A_984] : memref<34896xf32, #tpu.memory_space<vmem>> -> memref<4356xf32, #tpu.memory_space<vmem>>
        %gather3A_986 = tpu.vector_load_idx %gather3A_985[%min3A_529] : memref<4356xf32, #tpu.memory_space<vmem>>[vector<16xi32>], vector<16xf32>,
        %swap3A_987 = arith.constant 6 : i32
        %swap3A_988 = arith.constant 0 : i32
        %swap3A_989 = arith.index_cast %swap3A_987 : i32 to index
        %swap3A_990 = arith.index_cast %swap3A_988 : i32 to index
        %swap3A_991 = arith.index_cast %mul3A_387 : i32 to index
        %swap3A_992 = tpu.vector_load %arg12[%swap3A_989, %swap3A_990, %swap3A_991] {strides = array<i32>} : memref<8x8x1152xf32, #tpu.memory_space<vmem>>, vector<16xf32>,
        tpu.vector_store %arg12[%swap3A_989, %swap3A_990, %swap3A_991], %gather3A_914 {strides = array<i32>} : memref<8x8x1152xf32, #tpu.memory_space<vmem>>, vector<16xf32>,
        %gather3A_993 = arith.constant 4360 : i32
        %gather3A_994 = tpu.memref_slice %arg9[%gather3A_993] : memref<34896xf32, #tpu.memory_space<vmem>> -> memref<4356xf32, #tpu.memory_space<vmem>>
        %gather3A_995 = tpu.vector_load_idx %gather3A_994[%min3A_529] : memref<4356xf32, #tpu.memory_space<vmem>>[vector<16xi32>], vector<16xf32>,
        %swap3A_996 = arith.constant 6 : i32
        %swap3A_997 = arith.constant 1 : i32
        %swap3A_998 = arith.index_cast %swap3A_996 : i32 to index
        %swap3A_999 = arith.index_cast %swap3A_997 : i32 to index
        %swap3A_1000 = arith.index_cast %mul3A_387 : i32 to index
        %swap3A_1001 = tpu.vector_load %arg12[%swap3A_998, %swap3A_999, %swap3A_1000] {strides = array<i32>} : memref<8x8x1152xf32, #tpu.memory_space<vmem>>, vector<16xf32>,
        tpu.vector_store %arg12[%swap3A_998, %swap3A_999, %swap3A_1000], %gather3A_923 {strides = array<i32>} : memref<8x8x1152xf32, #tpu.memory_space<vmem>>, vector<16xf32>,
        %gather3A_1002 = arith.constant 8720 : i32
        %gather3A_1003 = tpu.memref_slice %arg9[%gather3A_1002] : memref<34896xf32, #tpu.memory_space<vmem>> -> memref<4356xf32, #tpu.memory_space<vmem>>
        %gather3A_1004 = tpu.vector_load_idx %gather3A_1003[%min3A_529] : memref<4356xf32, #tpu.memory_space<vmem>>[vector<16xi32>], vector<16xf32>,
        %swap3A_1005 = arith.constant 6 : i32
        %swap3A_1006 = arith.constant 2 : i32
        %swap3A_1007 = arith.index_cast %swap3A_1005 : i32 to index
        %swap3A_1008 = arith.index_cast %swap3A_1006 : i32 to index
        %swap3A_1009 = arith.index_cast %mul3A_387 : i32 to index
        %swap3A_1010 = tpu.vector_load %arg12[%swap3A_1007, %swap3A_1008, %swap3A_1009] {strides = array<i32>} : memref<8x8x1152xf32, #tpu.memory_space<vmem>>, vector<16xf32>,
        tpu.vector_store %arg12[%swap3A_1007, %swap3A_1008, %swap3A_1009], %gather3A_932 {strides = array<i32>} : memref<8x8x1152xf32, #tpu.memory_space<vmem>>, vector<16xf32>,
        %gather3A_1011 = arith.constant 13080 : i32
        %gather3A_1012 = tpu.memref_slice %arg9[%gather3A_1011] : memref<34896xf32, #tpu.memory_space<vmem>> -> memref<4356xf32, #tpu.memory_space<vmem>>
        %gather3A_1013 = tpu.vector_load_idx %gather3A_1012[%min3A_529] : memref<4356xf32, #tpu.memory_space<vmem>>[vector<16xi32>], vector<16xf32>,
        %swap3A_1014 = arith.constant 6 : i32
        %swap3A_1015 = arith.constant 3 : i32
        %swap3A_1016 = arith.index_cast %swap3A_1014 : i32 to index
        %swap3A_1017 = arith.index_cast %swap3A_1015 : i32 to index
        %swap3A_1018 = arith.index_cast %mul3A_387 : i32 to index
        %swap3A_1019 = tpu.vector_load %arg12[%swap3A_1016, %swap3A_1017, %swap3A_1018] {strides = array<i32>} : memref<8x8x1152xf32, #tpu.memory_space<vmem>>, vector<16xf32>,
        tpu.vector_store %arg12[%swap3A_1016, %swap3A_1017, %swap3A_1018], %gather3A_941 {strides = array<i32>} : memref<8x8x1152xf32, #tpu.memory_space<vmem>>, vector<16xf32>,
        %gather3A_1020 = arith.constant 17440 : i32
        %gather3A_1021 = tpu.memref_slice %arg9[%gather3A_1020] : memref<34896xf32, #tpu.memory_space<vmem>> -> memref<4356xf32, #tpu.memory_space<vmem>>
        %gather3A_1022 = tpu.vector_load_idx %gather3A_1021[%min3A_529] : memref<4356xf32, #tpu.memory_space<vmem>>[vector<16xi32>], vector<16xf32>,
        %swap3A_1023 = arith.constant 6 : i32
        %swap3A_1024 = arith.constant 4 : i32
        %swap3A_1025 = arith.index_cast %swap3A_1023 : i32 to index
        %swap3A_1026 = arith.index_cast %swap3A_1024 : i32 to index
        %swap3A_1027 = arith.index_cast %mul3A_387 : i32 to index
        %swap3A_1028 = tpu.vector_load %arg12[%swap3A_1025, %swap3A_1026, %swap3A_1027] {strides = array<i32>} : memref<8x8x1152xf32, #tpu.memory_space<vmem>>, vector<16xf32>,
        tpu.vector_store %arg12[%swap3A_1025, %swap3A_1026, %swap3A_1027], %gather3A_950 {strides = array<i32>} : memref<8x8x1152xf32, #tpu.memory_space<vmem>>, vector<16xf32>,
        %gather3A_1029 = arith.constant 21800 : i32
        %gather3A_1030 = tpu.memref_slice %arg9[%gather3A_1029] : memref<34896xf32, #tpu.memory_space<vmem>> -> memref<4356xf32, #tpu.memory_space<vmem>>
        %gather3A_1031 = tpu.vector_load_idx %gather3A_1030[%min3A_529] : memref<4356xf32, #tpu.memory_space<vmem>>[vector<16xi32>], vector<16xf32>,
        %swap3A_1032 = arith.constant 6 : i32
        %swap3A_1033 = arith.constant 5 : i32
        %swap3A_1034 = arith.index_cast %swap3A_1032 : i32 to index
        %swap3A_1035 = arith.index_cast %swap3A_1033 : i32 to index
        %swap3A_1036 = arith.index_cast %mul3A_387 : i32 to index
        %swap3A_1037 = tpu.vector_load %arg12[%swap3A_1034, %swap3A_1035, %swap3A_1036] {strides = array<i32>} : memref<8x8x1152xf32, #tpu.memory_space<vmem>>, vector<16xf32>,
        tpu.vector_store %arg12[%swap3A_1034, %swap3A_1035, %swap3A_1036], %gather3A_959 {strides = array<i32>} : memref<8x8x1152xf32, #tpu.memory_space<vmem>>, vector<16xf32>,
        %gather3A_1038 = arith.constant 26160 : i32
        %gather3A_1039 = tpu.memref_slice %arg9[%gather3A_1038] : memref<34896xf32, #tpu.memory_space<vmem>> -> memref<4356xf32, #tpu.memory_space<vmem>>
        %gather3A_1040 = tpu.vector_load_idx %gather3A_1039[%min3A_529] : memref<4356xf32, #tpu.memory_space<vmem>>[vector<16xi32>], vector<16xf32>,
        %swap3A_1041 = arith.constant 6 : i32
        %swap3A_1042 = arith.constant 6 : i32
        %swap3A_1043 = arith.index_cast %swap3A_1041 : i32 to index
        %swap3A_1044 = arith.index_cast %swap3A_1042 : i32 to index
        %swap3A_1045 = arith.index_cast %mul3A_387 : i32 to index
        %swap3A_1046 = tpu.vector_load %arg12[%swap3A_1043, %swap3A_1044, %swap3A_1045] {strides = array<i32>} : memref<8x8x1152xf32, #tpu.memory_space<vmem>>, vector<16xf32>,
        tpu.vector_store %arg12[%swap3A_1043, %swap3A_1044, %swap3A_1045], %gather3A_968 {strides = array<i32>} : memref<8x8x1152xf32, #tpu.memory_space<vmem>>, vector<16xf32>,
        %gather3A_1047 = arith.constant 30520 : i32
        %gather3A_1048 = tpu.memref_slice %arg9[%gather3A_1047] : memref<34896xf32, #tpu.memory_space<vmem>> -> memref<4356xf32, #tpu.memory_space<vmem>>
        %gather3A_1049 = tpu.vector_load_idx %gather3A_1048[%min3A_529] : memref<4356xf32, #tpu.memory_space<vmem>>[vector<16xi32>], vector<16xf32>,
        %swap3A_1050 = arith.constant 6 : i32
        %swap3A_1051 = arith.constant 7 : i32
        %swap3A_1052 = arith.index_cast %swap3A_1050 : i32 to index
        %swap3A_1053 = arith.index_cast %swap3A_1051 : i32 to index
        %swap3A_1054 = arith.index_cast %mul3A_387 : i32 to index
        %swap3A_1055 = tpu.vector_load %arg12[%swap3A_1052, %swap3A_1053, %swap3A_1054] {strides = array<i32>} : memref<8x8x1152xf32, #tpu.memory_space<vmem>>, vector<16xf32>,
        tpu.vector_store %arg12[%swap3A_1052, %swap3A_1053, %swap3A_1054], %gather3A_977 {strides = array<i32>} : memref<8x8x1152xf32, #tpu.memory_space<vmem>>, vector<16xf32>,
        %swap3A_1056 = arith.constant 7 : i32
        %swap3A_1057 = arith.constant 0 : i32
        %swap3A_1058 = arith.index_cast %swap3A_1056 : i32 to index
        %swap3A_1059 = arith.index_cast %swap3A_1057 : i32 to index
        %swap3A_1060 = arith.index_cast %mul3A_387 : i32 to index
        %swap3A_1061 = tpu.vector_load %arg12[%swap3A_1058, %swap3A_1059, %swap3A_1060] {strides = array<i32>} : memref<8x8x1152xf32, #tpu.memory_space<vmem>>, vector<16xf32>,
        tpu.vector_store %arg12[%swap3A_1058, %swap3A_1059, %swap3A_1060], %gather3A_986 {strides = array<i32>} : memref<8x8x1152xf32, #tpu.memory_space<vmem>>, vector<16xf32>,
        %swap3A_1062 = arith.constant 7 : i32
        %swap3A_1063 = arith.constant 1 : i32
        %swap3A_1064 = arith.index_cast %swap3A_1062 : i32 to index
        %swap3A_1065 = arith.index_cast %swap3A_1063 : i32 to index
        %swap3A_1066 = arith.index_cast %mul3A_387 : i32 to index
        %swap3A_1067 = tpu.vector_load %arg12[%swap3A_1064, %swap3A_1065, %swap3A_1066] {strides = array<i32>} : memref<8x8x1152xf32, #tpu.memory_space<vmem>>, vector<16xf32>,
        tpu.vector_store %arg12[%swap3A_1064, %swap3A_1065, %swap3A_1066], %gather3A_995 {strides = array<i32>} : memref<8x8x1152xf32, #tpu.memory_space<vmem>>, vector<16xf32>,
        %swap3A_1068 = arith.constant 7 : i32
        %swap3A_1069 = arith.constant 2 : i32
        %swap3A_1070 = arith.index_cast %swap3A_1068 : i32 to index
        %swap3A_1071 = arith.index_cast %swap3A_1069 : i32 to index
        %swap3A_1072 = arith.index_cast %mul3A_387 : i32 to index
        %swap3A_1073 = tpu.vector_load %arg12[%swap3A_1070, %swap3A_1071, %swap3A_1072] {strides = array<i32>} : memref<8x8x1152xf32, #tpu.memory_space<vmem>>, vector<16xf32>,
        tpu.vector_store %arg12[%swap3A_1070, %swap3A_1071, %swap3A_1072], %gather3A_1004 {strides = array<i32>} : memref<8x8x1152xf32, #tpu.memory_space<vmem>>, vector<16xf32>,
        %swap3A_1074 = arith.constant 7 : i32
        %swap3A_1075 = arith.constant 3 : i32
        %swap3A_1076 = arith.index_cast %swap3A_1074 : i32 to index
        %swap3A_1077 = arith.index_cast %swap3A_1075 : i32 to index
        %swap3A_1078 = arith.index_cast %mul3A_387 : i32 to index
        %swap3A_1079 = tpu.vector_load %arg12[%swap3A_1076, %swap3A_1077, %swap3A_1078] {strides = array<i32>} : memref<8x8x1152xf32, #tpu.memory_space<vmem>>, vector<16xf32>,
        tpu.vector_store %arg12[%swap3A_1076, %swap3A_1077, %swap3A_1078], %gather3A_1013 {strides = array<i32>} : memref<8x8x1152xf32, #tpu.memory_space<vmem>>, vector<16xf32>,
        %swap3A_1080 = arith.constant 7 : i32
        %swap3A_1081 = arith.constant 4 : i32
        %swap3A_1082 = arith.index_cast %swap3A_1080 : i32 to index
        %swap3A_1083 = arith.index_cast %swap3A_1081 : i32 to index
        %swap3A_1084 = arith.index_cast %mul3A_387 : i32 to index
        %swap3A_1085 = tpu.vector_load %arg12[%swap3A_1082, %swap3A_1083, %swap3A_1084] {strides = array<i32>} : memref<8x8x1152xf32, #tpu.memory_space<vmem>>, vector<16xf32>,
        tpu.vector_store %arg12[%swap3A_1082, %swap3A_1083, %swap3A_1084], %gather3A_1022 {strides = array<i32>} : memref<8x8x1152xf32, #tpu.memory_space<vmem>>, vector<16xf32>,
        %swap3A_1086 = arith.constant 7 : i32
        %swap3A_1087 = arith.constant 5 : i32
        %swap3A_1088 = arith.index_cast %swap3A_1086 : i32 to index
        %swap3A_1089 = arith.index_cast %swap3A_1087 : i32 to index
        %swap3A_1090 = arith.index_cast %mul3A_387 : i32 to index
        %swap3A_1091 = tpu.vector_load %arg12[%swap3A_1088, %swap3A_1089, %swap3A_1090] {strides = array<i32>} : memref<8x8x1152xf32, #tpu.memory_space<vmem>>, vector<16xf32>,
        tpu.vector_store %arg12[%swap3A_1088, %swap3A_1089, %swap3A_1090], %gather3A_1031 {strides = array<i32>} : memref<8x8x1152xf32, #tpu.memory_space<vmem>>, vector<16xf32>,
        %swap3A_1092 = arith.constant 7 : i32
        %swap3A_1093 = arith.constant 6 : i32
        %swap3A_1094 = arith.index_cast %swap3A_1092 : i32 to index
        %swap3A_1095 = arith.index_cast %swap3A_1093 : i32 to index
        %swap3A_1096 = arith.index_cast %mul3A_387 : i32 to index
        %swap3A_1097 = tpu.vector_load %arg12[%swap3A_1094, %swap3A_1095, %swap3A_1096] {strides = array<i32>} : memref<8x8x1152xf32, #tpu.memory_space<vmem>>, vector<16xf32>,
        tpu.vector_store %arg12[%swap3A_1094, %swap3A_1095, %swap3A_1096], %gather3A_1040 {strides = array<i32>} : memref<8x8x1152xf32, #tpu.memory_space<vmem>>, vector<16xf32>,
        %swap3A_1098 = arith.constant 7 : i32
        %swap3A_1099 = arith.constant 7 : i32
        %swap3A_1100 = arith.index_cast %swap3A_1098 : i32 to index
        %swap3A_1101 = arith.index_cast %swap3A_1099 : i32 to index
        %swap3A_1102 = arith.index_cast %mul3A_387 : i32 to index
        %swap3A_1103 = tpu.vector_load %arg12[%swap3A_1100, %swap3A_1101, %swap3A_1102] {strides = array<i32>} : memref<8x8x1152xf32, #tpu.memory_space<vmem>>, vector<16xf32>,
        tpu.vector_store %arg12[%swap3A_1100, %swap3A_1101, %swap3A_1102], %gather3A_1049 {strides = array<i32>} : memref<8x8x1152xf32, #tpu.memory_space<vmem>>, vector<16xf32>,
        %scan3A_1104 = arith.constant 0 : i32
        scf.yield %scan3A_1104 : i32
      }
      %scan3A_368 = arith.constant 72 : i32
      %mul3A_369 = arith.constant 8 : i32
      %mul3A_370 = arith.muli %arg0, %mul3A_369 : i32
      %dma_start3A_371 = arith.constant 0 : i32
      %dma_start3A_372 = arith.constant 0 : i32
      %dma_start3A_373 = arith.constant 0 : i32
      %dma_start3A_374 = tpu.memref_slice %arg12[%dma_start3A_371, %dma_start3A_372, %dma_start3A_373] : memref<8x8x1152xf32, #tpu.memory_space<vmem>> -> memref<8x8x1152xf32, #tpu.memory_space<vmem>>
      %dma_start3A_375 = arith.constant 0 : i32
      %dma_start3A_376 = tpu.memref_slice %arg6[%mul3A_316, %mul3A_370, %dma_start3A_375] : memref<1025x16x1025xf32, #tpu.memory_space<hbm>> -> memref<8x8x1152xf32, #tpu.memory_space<hbm>>
      %dma_start3A_377 = arith.constant 0 : i32
      %dma_start3A_378 = tpu.memref_slice %arg6[%mul3A_316, %mul3A_370, %dma_start3A_377] : memref<1025x16x1025xf32, #tpu.memory_space<hbm>> -> memref<8x8x1152xf32, #tpu.memory_space<hbm>>
      %dma_start3A_379 = arith.constant 0 : i32
      %dma_start3A_380 = arith.constant 0 : i32
      %dma_start3A_381 = arith.constant 0 : i32
      %dma_start3A_382 = tpu.memref_slice %arg12[%dma_start3A_379, %dma_start3A_380, %dma_start3A_381] : memref<8x8x1152xf32, #tpu.memory_space<vmem>> -> memref<8x8x1152xf32, #tpu.memory_space<vmem>>
      tpu.enqueue_dma source(%dma_start3A_382 : memref<8x8x1152xf32, #tpu.memory_space<vmem>>) target(%dma_start3A_378 : memref<8x8x1152xf32, #tpu.memory_space<hbm>>) target_semaphore(%arg14 : memref<!tpu.dma_semaphore, #tpu.memory_space<semaphore_mem>>)
      %scan3A_383 = arith.constant 0 : i32
      scf.yield %scan3A_383 : i32
    }
    %scan3A_300 = arith.constant 8 : i32
    %dma_wait3A = arith.constant 0 : i32
    %dma_wait3A_301 = arith.constant 0 : i32
    %dma_wait3A_302 = arith.constant 0 : i32
    %dma_wait3A_303 = tpu.memref_slice %arg6[%dma_wait3A, %dma_wait3A_301, %dma_wait3A_302] : memref<1025x16x1025xf32, #tpu.memory_space<hbm>> -> memref<8x8x1152xf32, #tpu.memory_space<hbm>>
    %dma_wait3A_304 = arith.constant 0 : i32
    %dma_wait3A_305 = arith.constant 0 : i32
    %dma_wait3A_306 = arith.constant 0 : i32
    %dma_wait3A_307 = tpu.memref_slice %arg6[%dma_wait3A_304, %dma_wait3A_305, %dma_wait3A_306] : memref<1025x16x1025xf32, #tpu.memory_space<hbm>> -> memref<8x8x1152xf32, #tpu.memory_space<hbm>>
    tpu.wait_dma2 semaphore(%arg14 : memref<!tpu.dma_semaphore, #tpu.memory_space<semaphore_mem>>) src(%dma_wait3A_307 : memref<8x8x1152xf32, #tpu.memory_space<hbm>>) dst(%arg12 : memref<8x8x1152xf32, #tpu.memory_space<vmem>>)
    %eq3A = arith.constant 15 : i32
    %eq3A_308 = arith.cmpi eq, %arg1, %eq3A : i32
    %convert_element_type3A = arith.extui %eq3A_308 : i1 to i32
    %cond3A = arith.constant 0 : i32
    %cond3A_309 = arith.cmpi ne, %convert_element_type3A, %cond3A : i32
    scf.if %cond3A_309 {
      %dma_start3A = arith.constant 0 : i32
      %dma_start3A_310 = arith.constant 0 : i32
      %dma_start3A_311 = tpu.memref_slice %arg10[%dma_start3A, %dma_start3A_310] : memref<8x1152xi32, #tpu.memory_space<vmem>> -> memref<1x1152xi32, #tpu.memory_space<vmem>>
      %dma_start3A_312 = arith.constant 1024 : i32
      %dma_start3A_313 = arith.constant 0 : i32
      %dma_start3A_314 = tpu.memref_slice %arg4[%dma_start3A_312, %dma_start3A_313] : memref<1025x1025xi32, #tpu.memory_space<hbm>> -> memref<1x1152xi32, #tpu.memory_space<hbm>>
      %dma_start3A_315 = arith.constant 0 : i32
      %dma_start3A_316 = arith.constant 0 : i32
      %dma_start3A_317 = tpu.memref_slice %arg10[%dma_start3A_315, %dma_start3A_316] : memref<8x1152xi32, #tpu.memory_space<vmem>> -> memref<1x1152xi32, #tpu.memory_space<vmem>>
      %dma_start3A_318 = arith.constant 1024 : i32
      %dma_start3A_319 = arith.constant 0 : i32
      %dma_start3A_320 = tpu.memref_slice %arg4[%dma_start3A_318, %dma_start3A_319] : memref<1025x1025xi32, #tpu.memory_space<hbm>> -> memref<1x1152xi32, #tpu.memory_space<hbm>>
      tpu.enqueue_dma source(%dma_start3A_320 : memref<1x1152xi32, #tpu.memory_space<hbm>>) target(%dma_start3A_317 : memref<1x1152xi32, #tpu.memory_space<vmem>>) target_semaphore(%arg13 : memref<!tpu.dma_semaphore, #tpu.memory_space<semaphore_mem>>)
      %dma_start3A_321 = arith.constant 0 : i32
      %dma_start3A_322 = arith.constant 0 : i32
      %dma_start3A_323 = tpu.memref_slice %arg11[%dma_start3A_321, %dma_start3A_322] : memref<8x1152xi32, #tpu.memory_space<vmem>> -> memref<1x1152xi32, #tpu.memory_space<vmem>>
      %dma_start3A_324 = arith.constant 1024 : i32
      %dma_start3A_325 = arith.constant 0 : i32
      %dma_start3A_326 = tpu.memref_slice %arg5[%dma_start3A_324, %dma_start3A_325] : memref<1025x1025xi32, #tpu.memory_space<hbm>> -> memref<1x1152xi32, #tpu.memory_space<hbm>>
      %dma_start3A_327 = arith.constant 0 : i32
      %dma_start3A_328 = arith.constant 0 : i32
      %dma_start3A_329 = tpu.memref_slice %arg11[%dma_start3A_327, %dma_start3A_328] : memref<8x1152xi32, #tpu.memory_space<vmem>> -> memref<1x1152xi32, #tpu.memory_space<vmem>>
      %dma_start3A_330 = arith.constant 1024 : i32
      %dma_start3A_331 = arith.constant 0 : i32
      %dma_start3A_332 = tpu.memref_slice %arg5[%dma_start3A_330, %dma_start3A_331] : memref<1025x1025xi32, #tpu.memory_space<hbm>> -> memref<1x1152xi32, #tpu.memory_space<hbm>>
      tpu.enqueue_dma source(%dma_start3A_332 : memref<1x1152xi32, #tpu.memory_space<hbm>>) target(%dma_start3A_329 : memref<1x1152xi32, #tpu.memory_space<vmem>>) target_semaphore(%arg13 : memref<!tpu.dma_semaphore, #tpu.memory_space<semaphore_mem>>)
      %dma_wait3A_333 = arith.constant 0 : i32
      %dma_wait3A_334 = arith.constant 0 : i32
      %dma_wait3A_335 = tpu.memref_slice %arg10[%dma_wait3A_333, %dma_wait3A_334] : memref<8x1152xi32, #tpu.memory_space<vmem>> -> memref<1x1152xi32, #tpu.memory_space<vmem>>
      %dma_wait3A_336 = arith.constant 1024 : i32
      %dma_wait3A_337 = arith.constant 0 : i32
      %dma_wait3A_338 = tpu.memref_slice %arg4[%dma_wait3A_336, %dma_wait3A_337] : memref<1025x1025xi32, #tpu.memory_space<hbm>> -> memref<1x1152xi32, #tpu.memory_space<hbm>>
      %dma_wait3A_339 = arith.constant 0 : i32
      %dma_wait3A_340 = arith.constant 0 : i32
      %dma_wait3A_341 = tpu.memref_slice %arg10[%dma_wait3A_339, %dma_wait3A_340] : memref<8x1152xi32, #tpu.memory_space<vmem>> -> memref<1x1152xi32, #tpu.memory_space<vmem>>
      %dma_wait3A_342 = arith.constant 1024 : i32
      %dma_wait3A_343 = arith.constant 0 : i32
      %dma_wait3A_344 = tpu.memref_slice %arg4[%dma_wait3A_342, %dma_wait3A_343] : memref<1025x1025xi32, #tpu.memory_space<hbm>> -> memref<1x1152xi32, #tpu.memory_space<hbm>>
      tpu.wait_dma2 semaphore(%arg13 : memref<!tpu.dma_semaphore, #tpu.memory_space<semaphore_mem>>) src(%dma_wait3A_344 : memref<1x1152xi32, #tpu.memory_space<hbm>>) dst(%dma_wait3A_341 : memref<1x1152xi32, #tpu.memory_space<vmem>>)
      %dma_wait3A_345 = arith.constant 0 : i32
      %dma_wait3A_346 = arith.constant 0 : i32
      %dma_wait3A_347 = tpu.memref_slice %arg11[%dma_wait3A_345, %dma_wait3A_346] : memref<8x1152xi32, #tpu.memory_space<vmem>> -> memref<1x1152xi32, #tpu.memory_space<vmem>>
      %dma_wait3A_348 = arith.constant 1024 : i32
      %dma_wait3A_349 = arith.constant 0 : i32
      %dma_wait3A_350 = tpu.memref_slice %arg5[%dma_wait3A_348, %dma_wait3A_349] : memref<1025x1025xi32, #tpu.memory_space<hbm>> -> memref<1x1152xi32, #tpu.memory_space<hbm>>
      %dma_wait3A_351 = arith.constant 0 : i32
      %dma_wait3A_352 = arith.constant 0 : i32
      %dma_wait3A_353 = tpu.memref_slice %arg11[%dma_wait3A_351, %dma_wait3A_352] : memref<8x1152xi32, #tpu.memory_space<vmem>> -> memref<1x1152xi32, #tpu.memory_space<vmem>>
      %dma_wait3A_354 = arith.constant 1024 : i32
      %dma_wait3A_355 = arith.constant 0 : i32
      %dma_wait3A_356 = tpu.memref_slice %arg5[%dma_wait3A_354, %dma_wait3A_355] : memref<1025x1025xi32, #tpu.memory_space<hbm>> -> memref<1x1152xi32, #tpu.memory_space<hbm>>
      tpu.wait_dma2 semaphore(%arg13 : memref<!tpu.dma_semaphore, #tpu.memory_space<semaphore_mem>>) src(%dma_wait3A_356 : memref<1x1152xi32, #tpu.memory_space<hbm>>) dst(%dma_wait3A_353 : memref<1x1152xi32, #tpu.memory_space<vmem>>)
      %not3A = arith.constant true
      %not3A_357 = arith.constant true
      %not3A_358 = arith.xori %not3A, %not3A_357 : i1
      %convert_element_type3A_359 = arith.extui %not3A_358 : i1 to i32
      %cond3A_360 = arith.constant 0 : i32
      %cond3A_361 = arith.cmpi ne, %convert_element_type3A_359, %cond3A_360 : i32
      scf.if %cond3A_361 {
        %dma_wait3A_401 = arith.constant 0 : i32
        %dma_wait3A_402 = arith.constant 0 : i32
        %dma_wait3A_403 = arith.constant 0 : i32
        %dma_wait3A_404 = tpu.memref_slice %arg6[%dma_wait3A_401, %dma_wait3A_402, %dma_wait3A_403] : memref<1025x16x1025xf32, #tpu.memory_space<hbm>> -> memref<8x8x1152xf32, #tpu.memory_space<hbm>>
        %dma_wait3A_405 = arith.constant 0 : i32
        %dma_wait3A_406 = arith.constant 0 : i32
        %dma_wait3A_407 = arith.constant 0 : i32
        %dma_wait3A_408 = tpu.memref_slice %arg6[%dma_wait3A_405, %dma_wait3A_406, %dma_wait3A_407] : memref<1025x16x1025xf32, #tpu.memory_space<hbm>> -> memref<8x8x1152xf32, #tpu.memory_space<hbm>>
        tpu.wait_dma2 semaphore(%arg14 : memref<!tpu.dma_semaphore, #tpu.memory_space<semaphore_mem>>) src(%dma_wait3A_408 : memref<8x8x1152xf32, #tpu.memory_space<hbm>>) dst(%arg12 : memref<8x8x1152xf32, #tpu.memory_space<vmem>>)
      } else {
      }
      %scan3A_362 = arith.constant 0 : i32
      %scan3A_363 = arith.constant 0 : i32
      %scan3A_364 = arith.constant 72 : i32
      %scan3A_365 = arith.addi %scan3A_363, %scan3A_364 : i32
      %scan3A_366 = arith.constant 1 : i32
      %scan3A_367 = scf.for %scan3A_401 = %scan3A_363 to %scan3A_365 step %scan3A_366 iter_args(%scan3A_402 = %scan3A_362) -> (i32)  : i32 {
        %mul3A_403 = arith.constant 16 : i32
        %mul3A_404 = arith.muli %scan3A_401, %mul3A_403 : i32
        %get3A_405 = arith.constant 0 : i32
        %get3A_406 = arith.index_cast %get3A_405 : i32 to index
        %get3A_407 = arith.index_cast %mul3A_404 : i32 to index
        %get3A_408 = tpu.vector_load %arg10[%get3A_406, %get3A_407] {strides = array<i32>} : memref<8x1152xi32, #tpu.memory_space<vmem>>, vector<16xi32>,
        %mul3A_409 = arith.constant 66 : i32
        %mul3A_410 = vector.broadcast %mul3A_409 : i32 to vector<16xi32>
        %mul3A_411 = arith.muli %get3A_408, %mul3A_410 : vector<16xi32>
        %get3A_412 = arith.constant 0 : i32
        %get3A_413 = arith.index_cast %get3A_412 : i32 to index
        %get3A_414 = arith.index_cast %mul3A_404 : i32 to index
        %get3A_415 = tpu.vector_load %arg11[%get3A_413, %get3A_414] {strides = array<i32>} : memref<8x1152xi32, #tpu.memory_space<vmem>>, vector<16xi32>,
        %add3A_416 = arith.addi %mul3A_411, %get3A_415 : vector<16xi32>
        %max3A = arith.constant 0 : i32
        %max3A_417 = vector.broadcast %max3A : i32 to vector<16xi32>
        %max3A_418 = arith.maxsi %add3A_416, %max3A_417 : vector<16xi32>
        %min3A = arith.constant 4355 : i32
        %min3A_419 = vector.broadcast %min3A : i32 to vector<16xi32>
        %min3A_420 = arith.minsi %max3A_418, %min3A_419 : vector<16xi32>
        %gather3A = arith.constant 0 : i32
        %gather3A_421 = tpu.memref_slice %arg9[%gather3A] : memref<34896xf32, #tpu.memory_space<vmem>> -> memref<4356xf32, #tpu.memory_space<vmem>>
        %gather3A_422 = tpu.vector_load_idx %gather3A_421[%min3A_420] : memref<4356xf32, #tpu.memory_space<vmem>>[vector<16xi32>], vector<16xf32>,
        %gather3A_423 = arith.constant 4360 : i32
        %gather3A_424 = tpu.memref_slice %arg9[%gather3A_423] : memref<34896xf32, #tpu.memory_space<vmem>> -> memref<4356xf32, #tpu.memory_space<vmem>>
        %gather3A_425 = tpu.vector_load_idx %gather3A_424[%min3A_420] : memref<4356xf32, #tpu.memory_space<vmem>>[vector<16xi32>], vector<16xf32>,
        %gather3A_426 = arith.constant 8720 : i32
        %gather3A_427 = tpu.memref_slice %arg9[%gather3A_426] : memref<34896xf32, #tpu.memory_space<vmem>> -> memref<4356xf32, #tpu.memory_space<vmem>>
        %gather3A_428 = tpu.vector_load_idx %gather3A_427[%min3A_420] : memref<4356xf32, #tpu.memory_space<vmem>>[vector<16xi32>], vector<16xf32>,
        %gather3A_429 = arith.constant 13080 : i32
        %gather3A_430 = tpu.memref_slice %arg9[%gather3A_429] : memref<34896xf32, #tpu.memory_space<vmem>> -> memref<4356xf32, #tpu.memory_space<vmem>>
        %gather3A_431 = tpu.vector_load_idx %gather3A_430[%min3A_420] : memref<4356xf32, #tpu.memory_space<vmem>>[vector<16xi32>], vector<16xf32>,
        %gather3A_432 = arith.constant 17440 : i32
        %gather3A_433 = tpu.memref_slice %arg9[%gather3A_432] : memref<34896xf32, #tpu.memory_space<vmem>> -> memref<4356xf32, #tpu.memory_space<vmem>>
        %gather3A_434 = tpu.vector_load_idx %gather3A_433[%min3A_420] : memref<4356xf32, #tpu.memory_space<vmem>>[vector<16xi32>], vector<16xf32>,
        %gather3A_435 = arith.constant 21800 : i32
        %gather3A_436 = tpu.memref_slice %arg9[%gather3A_435] : memref<34896xf32, #tpu.memory_space<vmem>> -> memref<4356xf32, #tpu.memory_space<vmem>>
        %gather3A_437 = tpu.vector_load_idx %gather3A_436[%min3A_420] : memref<4356xf32, #tpu.memory_space<vmem>>[vector<16xi32>], vector<16xf32>,
        %gather3A_438 = arith.constant 26160 : i32
        %gather3A_439 = tpu.memref_slice %arg9[%gather3A_438] : memref<34896xf32, #tpu.memory_space<vmem>> -> memref<4356xf32, #tpu.memory_space<vmem>>
        %gather3A_440 = tpu.vector_load_idx %gather3A_439[%min3A_420] : memref<4356xf32, #tpu.memory_space<vmem>>[vector<16xi32>], vector<16xf32>,
        %gather3A_441 = arith.constant 30520 : i32
        %gather3A_442 = tpu.memref_slice %arg9[%gather3A_441] : memref<34896xf32, #tpu.memory_space<vmem>> -> memref<4356xf32, #tpu.memory_space<vmem>>
        %gather3A_443 = tpu.vector_load_idx %gather3A_442[%min3A_420] : memref<4356xf32, #tpu.memory_space<vmem>>[vector<16xi32>], vector<16xf32>,
        %swap3A = arith.constant 0 : i32
        %swap3A_444 = arith.constant 0 : i32
        %swap3A_445 = arith.index_cast %swap3A : i32 to index
        %swap3A_446 = arith.index_cast %swap3A_444 : i32 to index
        %swap3A_447 = arith.index_cast %mul3A_404 : i32 to index
        %swap3A_448 = tpu.vector_load %arg12[%swap3A_445, %swap3A_446, %swap3A_447] {strides = array<i32>} : memref<8x8x1152xf32, #tpu.memory_space<vmem>>, vector<16xf32>,
        tpu.vector_store %arg12[%swap3A_445, %swap3A_446, %swap3A_447], %gather3A_422 {strides = array<i32>} : memref<8x8x1152xf32, #tpu.memory_space<vmem>>, vector<16xf32>,
        %swap3A_449 = arith.constant 0 : i32
        %swap3A_450 = arith.constant 1 : i32
        %swap3A_451 = arith.index_cast %swap3A_449 : i32 to index
        %swap3A_452 = arith.index_cast %swap3A_450 : i32 to index
        %swap3A_453 = arith.index_cast %mul3A_404 : i32 to index
        %swap3A_454 = tpu.vector_load %arg12[%swap3A_451, %swap3A_452, %swap3A_453] {strides = array<i32>} : memref<8x8x1152xf32, #tpu.memory_space<vmem>>, vector<16xf32>,
        tpu.vector_store %arg12[%swap3A_451, %swap3A_452, %swap3A_453], %gather3A_425 {strides = array<i32>} : memref<8x8x1152xf32, #tpu.memory_space<vmem>>, vector<16xf32>,
        %swap3A_455 = arith.constant 0 : i32
        %swap3A_456 = arith.constant 2 : i32
        %swap3A_457 = arith.index_cast %swap3A_455 : i32 to index
        %swap3A_458 = arith.index_cast %swap3A_456 : i32 to index
        %swap3A_459 = arith.index_cast %mul3A_404 : i32 to index
        %swap3A_460 = tpu.vector_load %arg12[%swap3A_457, %swap3A_458, %swap3A_459] {strides = array<i32>} : memref<8x8x1152xf32, #tpu.memory_space<vmem>>, vector<16xf32>,
        tpu.vector_store %arg12[%swap3A_457, %swap3A_458, %swap3A_459], %gather3A_428 {strides = array<i32>} : memref<8x8x1152xf32, #tpu.memory_space<vmem>>, vector<16xf32>,
        %swap3A_461 = arith.constant 0 : i32
        %swap3A_462 = arith.constant 3 : i32
        %swap3A_463 = arith.index_cast %swap3A_461 : i32 to index
        %swap3A_464 = arith.index_cast %swap3A_462 : i32 to index
        %swap3A_465 = arith.index_cast %mul3A_404 : i32 to index
        %swap3A_466 = tpu.vector_load %arg12[%swap3A_463, %swap3A_464, %swap3A_465] {strides = array<i32>} : memref<8x8x1152xf32, #tpu.memory_space<vmem>>, vector<16xf32>,
        tpu.vector_store %arg12[%swap3A_463, %swap3A_464, %swap3A_465], %gather3A_431 {strides = array<i32>} : memref<8x8x1152xf32, #tpu.memory_space<vmem>>, vector<16xf32>,
        %swap3A_467 = arith.constant 0 : i32
        %swap3A_468 = arith.constant 4 : i32
        %swap3A_469 = arith.index_cast %swap3A_467 : i32 to index
        %swap3A_470 = arith.index_cast %swap3A_468 : i32 to index
        %swap3A_471 = arith.index_cast %mul3A_404 : i32 to index
        %swap3A_472 = tpu.vector_load %arg12[%swap3A_469, %swap3A_470, %swap3A_471] {strides = array<i32>} : memref<8x8x1152xf32, #tpu.memory_space<vmem>>, vector<16xf32>,
        tpu.vector_store %arg12[%swap3A_469, %swap3A_470, %swap3A_471], %gather3A_434 {strides = array<i32>} : memref<8x8x1152xf32, #tpu.memory_space<vmem>>, vector<16xf32>,
        %swap3A_473 = arith.constant 0 : i32
        %swap3A_474 = arith.constant 5 : i32
        %swap3A_475 = arith.index_cast %swap3A_473 : i32 to index
        %swap3A_476 = arith.index_cast %swap3A_474 : i32 to index
        %swap3A_477 = arith.index_cast %mul3A_404 : i32 to index
        %swap3A_478 = tpu.vector_load %arg12[%swap3A_475, %swap3A_476, %swap3A_477] {strides = array<i32>} : memref<8x8x1152xf32, #tpu.memory_space<vmem>>, vector<16xf32>,
        tpu.vector_store %arg12[%swap3A_475, %swap3A_476, %swap3A_477], %gather3A_437 {strides = array<i32>} : memref<8x8x1152xf32, #tpu.memory_space<vmem>>, vector<16xf32>,
        %swap3A_479 = arith.constant 0 : i32
        %swap3A_480 = arith.constant 6 : i32
        %swap3A_481 = arith.index_cast %swap3A_479 : i32 to index
        %swap3A_482 = arith.index_cast %swap3A_480 : i32 to index
        %swap3A_483 = arith.index_cast %mul3A_404 : i32 to index
        %swap3A_484 = tpu.vector_load %arg12[%swap3A_481, %swap3A_482, %swap3A_483] {strides = array<i32>} : memref<8x8x1152xf32, #tpu.memory_space<vmem>>, vector<16xf32>,
        tpu.vector_store %arg12[%swap3A_481, %swap3A_482, %swap3A_483], %gather3A_440 {strides = array<i32>} : memref<8x8x1152xf32, #tpu.memory_space<vmem>>, vector<16xf32>,
        %swap3A_485 = arith.constant 0 : i32
        %swap3A_486 = arith.constant 7 : i32
        %swap3A_487 = arith.index_cast %swap3A_485 : i32 to index
        %swap3A_488 = arith.index_cast %swap3A_486 : i32 to index
        %swap3A_489 = arith.index_cast %mul3A_404 : i32 to index
        %swap3A_490 = tpu.vector_load %arg12[%swap3A_487, %swap3A_488, %swap3A_489] {strides = array<i32>} : memref<8x8x1152xf32, #tpu.memory_space<vmem>>, vector<16xf32>,
        tpu.vector_store %arg12[%swap3A_487, %swap3A_488, %swap3A_489], %gather3A_443 {strides = array<i32>} : memref<8x8x1152xf32, #tpu.memory_space<vmem>>, vector<16xf32>,
        %scan3A_491 = arith.constant 0 : i32
        scf.yield %scan3A_491 : i32
      }
      %scan3A_368 = arith.constant 72 : i32
      %mul3A_369 = arith.constant 8 : i32
      %mul3A_370 = arith.muli %arg0, %mul3A_369 : i32
      %dma_start3A_371 = arith.constant 0 : i32
      %dma_start3A_372 = arith.constant 0 : i32
      %dma_start3A_373 = arith.constant 0 : i32
      %dma_start3A_374 = tpu.memref_slice %arg12[%dma_start3A_371, %dma_start3A_372, %dma_start3A_373] : memref<8x8x1152xf32, #tpu.memory_space<vmem>> -> memref<1x8x1152xf32, #tpu.memory_space<vmem>>
      %dma_start3A_375 = arith.constant 1024 : i32
      %dma_start3A_376 = arith.constant 0 : i32
      %dma_start3A_377 = tpu.memref_slice %arg6[%dma_start3A_375, %mul3A_370, %dma_start3A_376] : memref<1025x16x1025xf32, #tpu.memory_space<hbm>> -> memref<1x8x1152xf32, #tpu.memory_space<hbm>>
      %dma_start3A_378 = arith.constant 1024 : i32
      %dma_start3A_379 = arith.constant 0 : i32
      %dma_start3A_380 = tpu.memref_slice %arg6[%dma_start3A_378, %mul3A_370, %dma_start3A_379] : memref<1025x16x1025xf32, #tpu.memory_space<hbm>> -> memref<1x8x1152xf32, #tpu.memory_space<hbm>>
      %dma_start3A_381 = arith.constant 0 : i32
      %dma_start3A_382 = arith.constant 0 : i32
      %dma_start3A_383 = arith.constant 0 : i32
      %dma_start3A_384 = tpu.memref_slice %arg12[%dma_start3A_381, %dma_start3A_382, %dma_start3A_383] : memref<8x8x1152xf32, #tpu.memory_space<vmem>> -> memref<1x8x1152xf32, #tpu.memory_space<vmem>>
      tpu.enqueue_dma source(%dma_start3A_384 : memref<1x8x1152xf32, #tpu.memory_space<vmem>>) target(%dma_start3A_380 : memref<1x8x1152xf32, #tpu.memory_space<hbm>>) target_semaphore(%arg14 : memref<!tpu.dma_semaphore, #tpu.memory_space<semaphore_mem>>)
      %dma_wait3A_385 = arith.constant 0 : i32
      %dma_wait3A_386 = arith.constant 0 : i32
      %dma_wait3A_387 = arith.constant 0 : i32
      %dma_wait3A_388 = tpu.memref_slice %arg12[%dma_wait3A_385, %dma_wait3A_386, %dma_wait3A_387] : memref<8x8x1152xf32, #tpu.memory_space<vmem>> -> memref<1x8x1152xf32, #tpu.memory_space<vmem>>
      %dma_wait3A_389 = arith.constant 0 : i32
      %dma_wait3A_390 = arith.constant 0 : i32
      %dma_wait3A_391 = arith.constant 0 : i32
      %dma_wait3A_392 = tpu.memref_slice %arg6[%dma_wait3A_389, %dma_wait3A_390, %dma_wait3A_391] : memref<1025x16x1025xf32, #tpu.memory_space<hbm>> -> memref<1x8x1152xf32, #tpu.memory_space<hbm>>
      %dma_wait3A_393 = arith.constant 0 : i32
      %dma_wait3A_394 = arith.constant 0 : i32
      %dma_wait3A_395 = arith.constant 0 : i32
      %dma_wait3A_396 = tpu.memref_slice %arg12[%dma_wait3A_393, %dma_wait3A_394, %dma_wait3A_395] : memref<8x8x1152xf32, #tpu.memory_space<vmem>> -> memref<1x8x1152xf32, #tpu.memory_space<vmem>>
      %dma_wait3A_397 = arith.constant 0 : i32
      %dma_wait3A_398 = arith.constant 0 : i32
      %dma_wait3A_399 = arith.constant 0 : i32
      %dma_wait3A_400 = tpu.memref_slice %arg6[%dma_wait3A_397, %dma_wait3A_398, %dma_wait3A_399] : memref<1025x16x1025xf32, #tpu.memory_space<hbm>> -> memref<1x8x1152xf32, #tpu.memory_space<hbm>>
      tpu.wait_dma2 semaphore(%arg14 : memref<!tpu.dma_semaphore, #tpu.memory_space<semaphore_mem>>) src(%dma_wait3A_400 : memref<1x8x1152xf32, #tpu.memory_space<hbm>>) dst(%dma_wait3A_396 : memref<1x8x1152xf32, #tpu.memory_space<vmem>>)
    } else {
    }
    return
  }
}

</mosaic_0001>

<sc_bundles>
// kernel: kernel.3.cloned.1.call-start
scs
__scs_entry_jumppad:
0x0: {  	(pc) =	sbr.rel $0x88, $3  }
0x1: {  	(tag) =	ssettag $0x0;
	lr =	simm.s32 $0x1  }
0x2: {  	[smem:$0x3F9D] =	sst lr;
	_ =	strace $0xD0000000  }
0x3: {  	_ = 	snop  }
0x4: {  	_ = 	snop  }
0x5: {  	_ = 	snop  }
0x6: {  	_ = 	snop  }
0x7: {  	_ = 	snop  }
__scs_overlays_trampoline_lowered:
0x8: {  	[smem:$0x3FAC] =	sst s0  }
0x9: {  	[smem:$0x3FAD] =	sst s1  }
0xa: {  	[smem:$0x3FAE] =	sst s2  }
0xb: {  	[smem:$0x3FAF] =	sst s3  }
0xc: {  	[smem:$0x3FB0] =	sst s4  }
0xd: {  	[smem:$0x3FB1] =	sst s5  }
0xe: {  	[smem:$0x3FB2] =	sst s6  }
0xf: {  	[smem:$0x3FB3] =	sst s7  }
0x10: {  	[smem:$0x3FB4] =	sst s8  }
0x11: {  	[smem:$0x3FB5] =	sst s9;
	s0 =	simm.s32 @!p0 $0x0  }
0x12: {  	s1 =	sld [smem:$0x3F9B];
	s0 =	simm.s32 @p0 $0x1  }
0x13: {  	[smem:$0x3FB6] =	sst s0;
	s0 =	simm.s32 @!p1 $0x0  }
0x14: {  	s2 =	sld [smem:$0x3F9A];
	s0 =	simm.s32 @p1 $0x1  }
0x15: {  	[smem:$0x3FB7] =	sst s0;
	s0 =	simm.s32 @!p2 $0x0  }
0x16: {  	s3 =	sld [smem:$0x3FDB];
	s0 =	simm.s32 @p2 $0x1  }
0x17: {  	s4 =	simm.s32 $0x1BF5;
	[smem:$0x3FB9] =	sst s0  }
0x18: {  	s0 =	sld [smem:$0x3F9C];
	_ =	swait.ge [sflag:s4], $0x0  }
0x19: {  	s7 =	sld [smem:$0x3F9D]  }
0x1a: {  	s8 =	sadd.s32 $0xFFFFE003, lr  }
0x1b: {  	s9 =	sadd.s32 $0xFFFFFEF7, lr;
	s5 =	simm.s32 $0xFFFFFFFF;
	p2 =	slt.u32 s8, $0xFFFFF086  }
0x1c: {  	p1 =	slt.u32 s9, $0xF7A;
	s5 =	simm.s32 @!p2 $0x0  }
0x1d: {  	s5 =	simm.s32 @p1 $0x1;
	p0 =	seq.s32 s7, s2  }
0x1e: {  	s7 =	smul.u32 @!p0 $0xF7A, s2;
	p2 =	seq.s32 @!p0 s5, $0x0  }
0x1f: {  	s9 =	smul.u32 $0xF7A, s1;
	s8 =	simm.s32 @!p0 $0x1BF5;
	p2 =	por !p2, p0  }
0x20: {  	[sflag:s8] =	ssyncset.s32 @!p0 $0xFFFFF086;
	s6 =	sadd.s32 @!p0 s3, s7;
	s7 =	simm.s32 @!p0 $0x108  }
0x21: {  	s3 =	sadd.s32 s3, s9;
	s6 =	sadd.s32 @!p0 $0x88, s6;
	s7 =	simm.s32 @p2 $0x1082  }
0x22: {  	[simem:s7], [sflag:s8] =	dma.local @!p0 [hbm:s6], $0xF7A  }
0x23: {  	s9 =	sor.u32 $0xD0000000, s2;
	s6 =	simm.s32 $0x108;
	_ =	swait.ge @!p0 [sflag:s8], $0x0  }
0x24: {  	s3 =	sadd.s32 $0x88, s3;
	s6 =	simm.s32 @!p1 $0x1082;
	[sflag:s4] =	ssyncset.s32 $0xFFFFF086  }
0x25: {  	[simem:s6], [sflag:s4] =	dma.local [hbm:s3], $0xF7A  }
0x26: {  	[smem:$0x3F9D] =	sst s1;
	(tag) =	ssettag s2;
	_ =	strace s9  }
0x27: {  	s1 =	sld [smem:$0x3FAD]  }
0x28: {  	s2 =	sld [smem:$0x3FAE]  }
0x29: {  	s4 =	sld [smem:$0x3FB0]  }
0x2a: {  	p0 =	seq.s32 s5, $0x0;
	s5 =	sld [smem:$0x3FB1]  }
0x2b: {  	s6 =	sld [smem:$0x3FB2]  }
0x2c: {  	s7 =	sld [smem:$0x3FB3]  }
0x2d: {  	s3 =	simm.s32 $0x108;
	s8 =	sld [smem:$0x3FB4]  }
0x2e: {  	s3 =	simm.s32 @!p0 $0x1082;
	s9 =	sld [smem:$0x3FB5]  }
0x2f: {  	lr =	sadd.s32 s0, s3;
	s0 =	sld [smem:$0x3FAC]  }
0x30: {  	s3 =	sld [smem:$0x3FAF]  }
0x31: {  	[smem:$0x3FB8] =	sst s10  }
0x32: {  	s10 =	sld [smem:$0x3FB6];
	_ =	sdelay $0x3  }
0x33: {  	p0 =	seq.s32 s10, $0x1;
	s10 =	sld [smem:$0x3FB8];
	_ =	sdelay $0x3  }
0x34: {  	[smem:$0x3FB8] =	sst s10  }
0x35: {  	s10 =	sld [smem:$0x3FB7];
	_ =	sdelay $0x3  }
0x36: {  	p1 =	seq.s32 s10, $0x1;
	s10 =	sld [smem:$0x3FB8];
	_ =	sdelay $0x3  }
0x37: {  	[smem:$0x3FB8] =	sst s10  }
0x38: {  	s10 =	sld [smem:$0x3FB9]  }
0x39: {  	_ = 	snop;
	(pc) =	sbr.ind lr, $3  }
0x3a: {  	_ = 	snop  }
0x3b: {  	_ = 	snop  }
0x3c: {  	p2 =	seq.s32 s10, $0x1;
	s10 =	sld [smem:$0x3FB8]  }
0x3d: {  	_ =	shalt  }
0x3e: {  	_ =	shalt  }
0x3f: {  	_ =	shalt  }
0x40: {  	_ =	shalt  }
0x41: {  	_ =	shalt  }
0x42: {  	_ =	shalt  }
0x43: {  	_ =	shalt  }
0x44: {  	_ =	shalt  }
0x45: {  	_ =	shalt  }
0x46: {  	_ =	shalt  }
0x47: {  	_ =	shalt  }
0x48: {  	_ =	shalt  }
0x49: {  	_ =	shalt  }
0x4a: {  	_ =	shalt  }
0x4b: {  	_ =	shalt  }
0x4c: {  	_ =	shalt  }
0x4d: {  	_ =	shalt  }
0x4e: {  	_ =	shalt  }
0x4f: {  	_ =	shalt  }
0x50: {  	_ =	shalt  }
0x51: {  	_ =	shalt  }
0x52: {  	_ =	shalt  }
0x53: {  	_ =	shalt  }
0x54: {  	_ =	shalt  }
0x55: {  	_ =	shalt  }
0x56: {  	_ =	shalt  }
0x57: {  	_ =	shalt  }
0x58: {  	_ =	shalt  }
0x59: {  	_ =	shalt  }
0x5a: {  	_ =	shalt  }
0x5b: {  	_ =	shalt  }
0x5c: {  	_ =	shalt  }
0x5d: {  	_ =	shalt  }
0x5e: {  	_ =	shalt  }
0x5f: {  	_ =	shalt  }
0x60: {  	_ =	shalt  }
0x61: {  	_ =	shalt  }
0x62: {  	_ =	shalt  }
0x63: {  	_ =	shalt  }
0x64: {  	_ =	shalt  }
0x65: {  	_ =	shalt  }
0x66: {  	_ =	shalt  }
0x67: {  	_ =	shalt  }
0x68: {  	_ =	shalt  }
0x69: {  	_ =	shalt  }
0x6a: {  	_ =	shalt  }
0x6b: {  	_ =	shalt  }
0x6c: {  	_ =	shalt  }
0x6d: {  	_ =	shalt  }
0x6e: {  	_ =	shalt  }
0x6f: {  	_ =	shalt  }
0x70: {  	_ =	shalt  }
0x71: {  	_ =	shalt  }
0x72: {  	_ =	shalt  }
0x73: {  	_ =	shalt  }
0x74: {  	_ =	shalt  }
0x75: {  	_ =	shalt  }
0x76: {  	_ =	shalt  }
0x77: {  	_ =	shalt  }
0x78: {  	_ =	shalt  }
0x79: {  	_ =	shalt  }
0x7a: {  	_ =	shalt  }
0x7b: {  	_ =	shalt  }
0x7c: {  	_ =	shalt  }
0x7d: {  	_ =	shalt  }
0x7e: {  	_ =	shalt  }
0x7f: {  	_ =	shalt  }
0x80: {  	_ =	shalt  }
0x81: {  	_ =	shalt  }
0x82: {  	_ =	shalt  }
0x83: {  	_ =	shalt  }
0x84: {  	_ =	shalt  }
0x85: {  	_ =	shalt  }
0x86: {  	_ =	shalt  }
0x87: {  	_ =	shalt  }
.Lfunc_end0:
.L_simem_size_0:
called_computation_lowered:
.L_overlay_start_0:
0x88: {  	s2 =	sld [smem:$0x3FD9]  }
0x89: {  	s3 =	sld [smem:$0x3FFE];
	_ =	sdelay $0x1  }
0x8a: {  	s1 =	srdreg.scid  }
0x8b: {  	s0 =	sand.u32 $0x1, s1  }
0x8c: {  	s17 =	sshll.u32 s0, $0xA;
	s2 =	sadd.s32 s3, s2  }
0x8d: {  	s2 =	sadd.s32 s2, s17  }
0x8e: {  	[smem:$0x3FC4] =	sst s2  }
0x8f: {  	_ = 	snop  }
0x90: {  	s2 =	sld [smem:$0x3FC7]  }
0x91: {  	s18 =	sld [smem:$0x3FC6]  }
0x92: {  	s4 =	sld [smem:$0x3FD0];
	(tm) =	ssettm $0x1  }
0x93: {  	s5 =	sld [smem:$0x3FFB];
	_ =	sdelay $0x3  }
0x94: {  	_ =	strace s5  }
0x95: {  	s5 =	sld [smem:$0x3FFC];
	_ =	sdelay $0x3  }
0x96: {  	_ =	strace s5  }
0x97: {  	s5 =	sld [smem:$0x3FFD];
	_ =	sdelay $0x3  }
0x98: {  	_ =	strace s5  }
0x99: {  	_ =	strace $0x8FFFFFFF  }
0x9a: {  	s19 =	sld [smem:$0x3FDB];
	_ =	sdelay $0x1  }
0x9b: {  	s6 =	simm.s32 $_scs_section_size  }
0x9c: {  	s7 =	simm.s32 $_size__tile_overlayer_lowered;
	s8 =	simm.s32 $_tile_overlayer_lowered  }
0x9d: {  	s22 =	simm.s32 $0x1BFF;
	s21 =	sshll.u32 s8, $0x1;
	s5 =	sadd.s32 s6, s19  }
0x9e: {  	s9 =	simm.s32 $0x0;
	s20 =	sshll.u32 s7, $0x1;
	s7 =	sadd.s32 s21, s5  }
0x9f: {  	[timem:s9], [sflag:s22] =	dma.local [hbm:s7], s20  }
0xa0: {  	_ =	swait.ge [sflag:s22], s20  }
0xa1: {  	s6 =	ssub.s32 $0x0, s20;
	[sflag:s22] =	ssyncset.done $0x0  }
0xa2: {  	[sflag:s22] =	ssyncadd.s32 s6;
	_ =	sdelay $0x1  }
0xa3: {  	s23 =	simm.s32 $0x1B8B  }
0xa4: {  	_ =	swait.ge [sflag:s23], $0x1  }
0xa5: {  	[sflag:s23] =	ssyncset.done $0x0  }
0xa6: {  	s25 =	simm.s32 $0x1B8E;
	s24 =	sld [smem:$0x3FFE];
	[sflag:s23] =	ssyncadd.s32 $0xFFFFFFFF  }
0xa7: {  	s26 =	simm.s32 $execute0_lowered;
	[smem:$0x3FD2] =	sst s25  }
0xa8: {  	s7 =	sshll.u32 s26, $0x1;
	_ =	strace $0x80000046;
	[dreg:$0x1] =	wrdreg $0xFFFFFFFF  }
0xa9: {  	s28 =	simm.s32 $_size_execute0_lowered;
	s5 =	sadd.s32 s5, s7;
	[dreg:$0x0] =	wrdreg $0x0  }
0xaa: {  	s7 =	sshll.u32 s28, $0x1;
	[dreg:$0x2] =	wrdreg s5  }
0xab: {  	[dreg:$0x3] =	wrdreg s7  }
0xac: {  	[dreg:$0x4] =	wrdreg $0xC0  }
0xad: {  	_ =	task [dreg:s9], $0x5FFFF  }
0xae: {  	[dreg:$0x1] =	wrdreg $0xFFFFFFFF  }
0xaf: {  	[dreg:$0x0] =	wrdreg $0x60  }
0xb0: {  	[dreg:$0x2] =	wrdreg s24  }
0xb1: {  	[dreg:$0x3] =	wrdreg s2  }
0xb2: {  	[dreg:$0x4] =	wrdreg s18  }
0xb3: {  	[dreg:$0x5] =	wrdreg s4  }
0xb4: {  	[dreg:$0x6] =	wrdreg $0x9  }
0xb5: {  	_ =	task.clear_ibuf [dreg:s9], $0x7FFFF;
	_ =	strace $0x90000046  }
0xb6: {  	s29 =	simm.s32 $0x9;
	_ =	strace $0x80000048  }
0xb7: {  	_ =	swait.ge [sflag:s29], $0x1  }
0xb8: {  	[sflag:s29] =	ssyncadd.s32 $0xFFFFFFFF  }
0xb9: {  	_ =	strace $0x90000048  }
0xba: {  	_ =	sfence  }
0xbb: {  	s30 =	sld [smem:$0x0];
	_ =	sdelay $0x2  }
0xbc: {  	s31 =	sshll.u32 s1, $0xD;
	s1 =	sshrl.u32 s1, $0x2  }
0xbd: {  	s3 =	sand.u32 $0x4000, s31;
	s1 =	sadd.s32 s1, s30  }
0xbe: {  	s0 =	sor.u32 s3, s0;
	s1 =	sshll.u32 s1, $0x11  }
0xbf: {  	s0 =	sor.u32 s1, s0  }
0xc0: {  	s0 =	sadd.s32 $0x8F2B, s0  }
0xc1: {  	[sflag:s0] =	ssyncadd.remote.s32 $0x1  }
0xc2: {  	_ =	sfence.sel $0xFFFF  }
0xc3: {  	[dreg:$0x0] =	wrdreg $0xFFFFFFFF;
	(pc) =	sbr.abs _section_cstart, $3  }
0xc4: {  	[dreg:$0x1] =	wrdreg $0xFFFFFFFF  }
0xc5: {  	_ =	task.clear_ibuf [dreg:s9], $0x2FFFF;
	_ =	strace $0x9FFFFFFF  }
0xc6: {  	(tm) =	ssettm $0x7FFFFFFF  }
0xc7: {  	_ =	shalt  }
tec
execute0_lowered:
.L_overlay_start_1:
0x0: {  	(tag) =	ssettag $0x1  }
0x1: {  	s0 =	rddreg [dreg:$0x0]  }
0x2: {  	s1 =	rddreg [dreg:$0x1]  }
0x3: {  	s2 =	rddreg [dreg:$0x2]  }
0x4: {  	s3 =	rddreg [dreg:$0x3]  }
0x5: {  	s4 =	simm.s32 $0x0;
	s5 =	srdreg.scid;
	s12 =	stileid.u32  }
0x6: {  	s17 =	simm.s32 $0x9280;
	s18 =	simm.s32 $0xB680;
	s19 =	simm.s32 $0x1  }
0x7: {  	s20 =	simm.s32 $0xA00;
	s21 =	simm.s32 $0x1B08;
	s22 =	simm.s32 $0x2C10  }
0x8: {  	s28 =	simm.s32 $0x8138;
	s29 =	simm.s32 $0x2400;
	s30 =	simm.s32 $0x4800  }
0x9: {  	s31 =	simm.s32 $0xDA80;
	[smem:$0x7FF] =	sst s4;
	s5 =	sand.u32 $0x1, s5  }
0xa: {  	s11 =	sadd.s32 $0x200, s0;
	s0 =	sadd.s32 $0x400, s0;
	s9 =	sshll.u32 s12, $0x6  }
0xb: {  	s25 =	sadd.s32 $0x24000, s1;
	s26 =	sadd.s32 $0x24000, s2;
	s7 =	smul.u32 $0x480, s5  }
0xc: {  	_ =	strace $0x80000047;
	[dreg:$0x5] =	wrdreg s0;
	s8 =	smul.u32 $0x280, s5  }
0xd: {  	p0 =	sne.s32 s12, $0xF;
	s10 =	smul.u32 $0x2400, s5;
	[dreg:$0x6] =	wrdreg s25  }
.Ltmp0:
0xe: {  	s6 =	ssub.s32 $0x2, s5;
	[dreg:$0x7] =	wrdreg s26;
	(pc) =	sbr.rel .LBB2_1-.Ltmp0, $4  }
0xf: {  	s25 =	simm.s32 $0x5F28;
	s23 =	sshrl.u32 s6, $0x1;
	s24 =	sadd.s32 s7, s3  }
0x10: {  	s26 =	simm.s32 $0x7030;
	s0 =	ssub.s32 s6, s23;
	s5 =	sadd.s32 $0x240000, s24  }
0x11: {  	s23 =	simm.s32 $0x3D18;
	s0 =	smax.u32 s0, $0x1;
	[dreg:$0x8] =	wrdreg s5  }
0x12: {  	s6 =	simm.s32 $0x0;
	s24 =	simm.s32 $0x4E20;
	[dreg:$0x9] =	wrdreg s0  }
.LBB2_24:
0x13: {  	_ =	sdelay $0x3  }
0x14: {  	v3 =	vld.idx.msk [tilespmem:v3+s21+$0x0], $0xffff;
	[tilespmem:s5+$0xDD00] =	vst v7  }
0x15: {  	[tilespmem:s5+$0xDC00] =	vst v5  }
0x16: {  	[tilespmem:s5+$0xDC80] =	vst v6  }
0x17: {  	[tilespmem:s5+$0xDD80] =	vst v1  }
0x18: {  	[tilespmem:s5+$0xDA80] =	vst v4  }
0x19: {  	[tilespmem:s5+$0xDB80] =	vst v2  }
0x1a: {  	s0 =	sor.u32 $0x380, s7;
	[tilespmem:s5+$0xDB00] =	vst v3  }
0x1b: {  	s15 =	rddreg [dreg:$0x8];
	s16 =	simm.s32 $0x2;
	[tilespmem:s0+$0xDA80] =	vst v0  }
0x1c: {  	[hbm4b:s15+s4] =	stream.linear.scatter [tilespmem:s31], [sflag:$0x2], $0x2400, $0x38;
	[tilespmem:$0x1FA80] =	vst v63  }
0x1d: {  	_ =	swait.ge [sflag:s16], $0x2400  }
0x1e: {  	[sflag:s16] =	ssyncset.done $0x0  }
0x1f: {  	s11 =	smov.u32 s12;
	[sflag:s16] =	ssyncadd.s32 $0xFFFFDC00  }
.LBB2_25:
0x20: {  	s6 =	sadd.s32 $0x1, s6;
	s0 =	rddreg [dreg:$0x9]  }
0x21: {  	p1 =	sne.s32 s6, s0  }
.Ltmp1:
0x22: {  	_ = 	snop;
	(pc) =	sbr.rel @!p1 .LBB2_26-.Ltmp1, $1  }
0x23: {  	_ =	sdelay $0x3  }
.LBB2_1:
0x24: {  	[tilespmem:s4], [sflag:$0x3] =	stream.linear.gather [hbm4b:s11+s4], $0x500, $0x38;
	[tilespmem:$0x1FA80] =	vst v63  }
0x25: {  	s5 =	simm.s32 $0x3  }
0x26: {  	_ =	swait.ge [sflag:s5], $0x500  }
0x27: {  	[sflag:s5] =	ssyncset.done $0x0  }
0x28: {  	s7 =	simm.s32 $0x500;
	s0 =	rddreg [dreg:$0x5];
	[sflag:s5] =	ssyncadd.s32 $0xFFFFFB00  }
0x29: {  	[tilespmem:s7], [sflag:$0x3] =	stream.linear.gather [hbm4b:s0+s4], $0x500, $0x38;
	[tilespmem:$0x1FA80] =	vst v63  }
0x2a: {  	s16 =	sadd.s32 $0x0, s8;
	_ =	swait.ge [sflag:s5], $0x500  }
0x2b: {  	v1 =	vmov s16;
	[sflag:s5] =	ssyncset.done $0x0  }
0x2c: {  	[sflag:s5] =	ssyncadd.s32 $0xFFFFFB00  }
0x2d: {  	v2 =	vld [tilespmem:s8+$0x500]  }
0x2e: {  	v3 =	vld [tilespmem:s8+$0x510]  }
0x2f: {  	v0 =	vld [tilespmem:s8+$0x520]  }
0x30: {  	v5 =	vld.idx.msk [tilespmem:v1+s4+$0x0], $0xffff  }
0x31: {  	v1 =	vld [tilespmem:s8+$0x530]  }
0x32: {  	v4 =	vld [tilespmem:s8+$0x540];
	_ =	sdelay $0x2  }
0x33: {  	v7 =	vadd.f32 v5, v2;
	v6 =	vadd.f32 v5, v3  }
0x34: {  	s0 =	simm.s32 $0xA20;
	s7 =	sadd.s32 $0x1, s8;
	s5 =	simm.s32 $0x2;
	v9 =	vadd.f32 v5, v0;
	v8 =	vadd.f32 v5, v1  }
.LBB2_2:
0x35: {  	p1 =	sne.s32 s5, $0x41;
	v10 =	vmov s7;
	[tilespmem:s0+$0xFFFFFFE0] =	vst v7;
	v5 =	vadd.f32 v5, v4  }
0x36: {  	[tilespmem:s0+$0xFFFFFFF0] =	vst v6  }
0x37: {  	[tilespmem:s0+$0x0] =	vst v9  }
0x38: {  	[tilespmem:s0+$0x10] =	vst v8  }
0x39: {  	[tilespmem:s0+$0x20] =	vst v5  }
0x3a: {  	v5 =	vld.idx.msk [tilespmem:v10+s4+$0x0], $0xffff;
	_ =	sdelay $0x2  }
.Ltmp2:
0x3b: {  	(pc) =	sbr.rel @p1 .LBB2_2-.Ltmp2, $3  }
0x3c: {  	_ =	sdelay $0x1  }
0x3d: {  	v7 =	vadd.f32 v5, v2;
	v6 =	vadd.f32 v5, v3  }
0x3e: {  	s7 =	sadd.s32 s8, s5;
	s5 =	sadd.s32 $0x1, s5;
	s0 =	sadd.s32 $0x42, s0;
	v9 =	vadd.f32 v5, v0;
	v8 =	vadd.f32 v5, v1  }
0x3f: {  	v10 =	vmov s7;
	[tilespmem:s0+$0xFFFFFFE0] =	vst v7  }
0x40: {  	[tilespmem:s0+$0xFFFFFFF0] =	vst v6  }
0x41: {  	v5 =	vadd.f32 v5, v4;
	[tilespmem:s0+$0x0] =	vst v9  }
0x42: {  	[tilespmem:s0+$0x10] =	vst v8  }
0x43: {  	[tilespmem:s0+$0x20] =	vst v5  }
0x44: {  	v5 =	vld.idx.msk [tilespmem:v10+s4+$0x0], $0xffff;
	_ =	sdelay $0x4  }
0x45: {  	v2 =	vadd.f32 v5, v2  }
0x46: {  	s16 =	sadd.s32 $0x42, s0;
	v3 =	vadd.f32 v5, v3  }
0x47: {  	v0 =	vadd.f32 v5, v0;
	[tilespmem:s16+$0xFFFFFFE0] =	vst v2  }
0x48: {  	v1 =	vadd.f32 v5, v1;
	[tilespmem:s16+$0xFFFFFFF0] =	vst v3  }
0x49: {  	s5 =	sadd.s32 $0x50, s8;
	v2 =	vadd.f32 v5, v4;
	[tilespmem:s16+$0x0] =	vst v0  }
0x4a: {  	[tilespmem:s16+$0x10] =	vst v1;
	v1 =	vmov s5  }
0x4b: {  	[tilespmem:s16+$0x20] =	vst v2  }
0x4c: {  	v2 =	vld [tilespmem:s8+$0x550]  }
0x4d: {  	v3 =	vld [tilespmem:s8+$0x560]  }
0x4e: {  	v0 =	vld [tilespmem:s8+$0x570]  }
0x4f: {  	v5 =	vld.idx.msk [tilespmem:v1+s4+$0x0], $0xffff  }
0x50: {  	v1 =	vld [tilespmem:s8+$0x580]  }
0x51: {  	v4 =	vld [tilespmem:s8+$0x590];
	_ =	sdelay $0x2  }
0x52: {  	v7 =	vadd.f32 v5, v2;
	v6 =	vadd.f32 v5, v3  }
0x53: {  	s7 =	sadd.s32 $0x51, s8;
	s0 =	simm.s32 $0x1B48;
	s5 =	simm.s32 $0x52;
	v9 =	vadd.f32 v5, v0;
	v8 =	vadd.f32 v5, v1  }
.LBB2_4:
0x54: {  	p1 =	sne.s32 s5, $0x91;
	v10 =	vmov s7;
	[tilespmem:s0+$0xFFFFFFC0] =	vst v7;
	v5 =	vadd.f32 v5, v4  }
0x55: {  	[tilespmem:s0+$0xFFFFFFD0] =	vst v6  }
0x56: {  	[tilespmem:s0+$0xFFFFFFE0] =	vst v9  }
0x57: {  	[tilespmem:s0+$0xFFFFFFF0] =	vst v8  }
0x58: {  	[tilespmem:s0+$0x0] =	vst v5  }
0x59: {  	v5 =	vld.idx.msk [tilespmem:v10+s4+$0x0], $0xffff;
	_ =	sdelay $0x2  }
.Ltmp3:
0x5a: {  	(pc) =	sbr.rel @p1 .LBB2_4-.Ltmp3, $3  }
0x5b: {  	_ =	sdelay $0x1  }
0x5c: {  	v7 =	vadd.f32 v5, v2;
	v6 =	vadd.f32 v5, v3  }
0x5d: {  	s7 =	sadd.s32 s8, s5;
	s5 =	sadd.s32 $0x1, s5;
	s0 =	sadd.s32 $0x42, s0;
	v9 =	vadd.f32 v5, v0;
	v8 =	vadd.f32 v5, v1  }
0x5e: {  	v10 =	vmov s7;
	[tilespmem:s0+$0xFFFFFFC0] =	vst v7  }
0x5f: {  	[tilespmem:s0+$0xFFFFFFD0] =	vst v6  }
0x60: {  	v5 =	vadd.f32 v5, v4;
	[tilespmem:s0+$0xFFFFFFE0] =	vst v9  }
0x61: {  	[tilespmem:s0+$0xFFFFFFF0] =	vst v8  }
0x62: {  	[tilespmem:s0+$0x0] =	vst v5  }
0x63: {  	v5 =	vld.idx.msk [tilespmem:v10+s4+$0x0], $0xffff;
	_ =	sdelay $0x4  }
0x64: {  	v2 =	vadd.f32 v5, v2  }
0x65: {  	s16 =	sadd.s32 $0x42, s0;
	v3 =	vadd.f32 v5, v3  }
0x66: {  	v0 =	vadd.f32 v5, v0;
	[tilespmem:s16+$0xFFFFFFC0] =	vst v2  }
0x67: {  	v1 =	vadd.f32 v5, v1;
	[tilespmem:s16+$0xFFFFFFD0] =	vst v3  }
0x68: {  	s5 =	sadd.s32 $0xA0, s8;
	v2 =	vadd.f32 v5, v4;
	[tilespmem:s16+$0xFFFFFFE0] =	vst v0  }
0x69: {  	[tilespmem:s16+$0xFFFFFFF0] =	vst v1;
	v1 =	vmov s5  }
0x6a: {  	[tilespmem:s16+$0x0] =	vst v2  }
0x6b: {  	v2 =	vld [tilespmem:s8+$0x5A0]  }
0x6c: {  	v3 =	vld [tilespmem:s8+$0x5B0]  }
0x6d: {  	v0 =	vld [tilespmem:s8+$0x5C0]  }
0x6e: {  	v5 =	vld.idx.msk [tilespmem:v1+s4+$0x0], $0xffff  }
0x6f: {  	v1 =	vld [tilespmem:s8+$0x5D0]  }
0x70: {  	v4 =	vld [tilespmem:s8+$0x5E0];
	_ =	sdelay $0x2  }
0x71: {  	v7 =	vadd.f32 v5, v2;
	v6 =	vadd.f32 v5, v3  }
0x72: {  	s7 =	sadd.s32 $0xA1, s8;
	s0 =	simm.s32 $0x2C50;
	s5 =	simm.s32 $0xA2;
	v9 =	vadd.f32 v5, v0;
	v8 =	vadd.f32 v5, v1  }
.LBB2_6:
0x73: {  	p1 =	sne.s32 s5, $0xE1;
	v10 =	vmov s7;
	[tilespmem:s0+$0xFFFFFFC0] =	vst v7;
	v5 =	vadd.f32 v5, v4  }
0x74: {  	[tilespmem:s0+$0xFFFFFFD0] =	vst v6  }
0x75: {  	[tilespmem:s0+$0xFFFFFFE0] =	vst v9  }
0x76: {  	[tilespmem:s0+$0xFFFFFFF0] =	vst v8  }
0x77: {  	[tilespmem:s0+$0x0] =	vst v5  }
0x78: {  	v5 =	vld.idx.msk [tilespmem:v10+s4+$0x0], $0xffff;
	_ =	sdelay $0x2  }
.Ltmp4:
0x79: {  	(pc) =	sbr.rel @p1 .LBB2_6-.Ltmp4, $3  }
0x7a: {  	_ =	sdelay $0x1  }
0x7b: {  	v7 =	vadd.f32 v5, v2;
	v6 =	vadd.f32 v5, v3  }
0x7c: {  	s7 =	sadd.s32 s8, s5;
	s5 =	sadd.s32 $0x1, s5;
	s0 =	sadd.s32 $0x42, s0;
	v9 =	vadd.f32 v5, v0;
	v8 =	vadd.f32 v5, v1  }
0x7d: {  	v10 =	vmov s7;
	[tilespmem:s0+$0xFFFFFFC0] =	vst v7  }
0x7e: {  	[tilespmem:s0+$0xFFFFFFD0] =	vst v6  }
0x7f: {  	v5 =	vadd.f32 v5, v4;
	[tilespmem:s0+$0xFFFFFFE0] =	vst v9  }
0x80: {  	[tilespmem:s0+$0xFFFFFFF0] =	vst v8  }
0x81: {  	[tilespmem:s0+$0x0] =	vst v5  }
0x82: {  	v5 =	vld.idx.msk [tilespmem:v10+s4+$0x0], $0xffff;
	_ =	sdelay $0x4  }
0x83: {  	v2 =	vadd.f32 v5, v2  }
0x84: {  	s16 =	sadd.s32 $0x42, s0;
	v3 =	vadd.f32 v5, v3  }
0x85: {  	v0 =	vadd.f32 v5, v0;
	[tilespmem:s16+$0xFFFFFFC0] =	vst v2  }
0x86: {  	v1 =	vadd.f32 v5, v1;
	[tilespmem:s16+$0xFFFFFFD0] =	vst v3  }
0x87: {  	s5 =	sadd.s32 $0xF0, s8;
	v2 =	vadd.f32 v5, v4;
	[tilespmem:s16+$0xFFFFFFE0] =	vst v0  }
0x88: {  	[tilespmem:s16+$0xFFFFFFF0] =	vst v1;
	v1 =	vmov s5  }
0x89: {  	[tilespmem:s16+$0x0] =	vst v2  }
0x8a: {  	v2 =	vld [tilespmem:s8+$0x5F0]  }
0x8b: {  	v3 =	vld [tilespmem:s8+$0x600]  }
0x8c: {  	v0 =	vld [tilespmem:s8+$0x610]  }
0x8d: {  	v5 =	vld.idx.msk [tilespmem:v1+s4+$0x0], $0xffff  }
0x8e: {  	v1 =	vld [tilespmem:s8+$0x620]  }
0x8f: {  	v4 =	vld [tilespmem:s8+$0x630];
	_ =	sdelay $0x2  }
0x90: {  	v7 =	vadd.f32 v5, v2;
	v6 =	vadd.f32 v5, v3  }
0x91: {  	s7 =	sadd.s32 $0xF1, s8;
	s0 =	simm.s32 $0x3D58;
	s5 =	simm.s32 $0xF2;
	v9 =	vadd.f32 v5, v0;
	v8 =	vadd.f32 v5, v1  }
.LBB2_8:
0x92: {  	p1 =	sne.s32 s5, $0x131;
	v10 =	vmov s7;
	[tilespmem:s0+$0xFFFFFFC0] =	vst v7;
	v5 =	vadd.f32 v5, v4  }
0x93: {  	[tilespmem:s0+$0xFFFFFFD0] =	vst v6  }
0x94: {  	[tilespmem:s0+$0xFFFFFFE0] =	vst v9  }
0x95: {  	[tilespmem:s0+$0xFFFFFFF0] =	vst v8  }
0x96: {  	[tilespmem:s0+$0x0] =	vst v5  }
0x97: {  	v5 =	vld.idx.msk [tilespmem:v10+s4+$0x0], $0xffff;
	_ =	sdelay $0x2  }
.Ltmp5:
0x98: {  	(pc) =	sbr.rel @p1 .LBB2_8-.Ltmp5, $3  }
0x99: {  	_ =	sdelay $0x1  }
0x9a: {  	v7 =	vadd.f32 v5, v2;
	v6 =	vadd.f32 v5, v3  }
0x9b: {  	s7 =	sadd.s32 s8, s5;
	s5 =	sadd.s32 $0x1, s5;
	s0 =	sadd.s32 $0x42, s0;
	v9 =	vadd.f32 v5, v0;
	v8 =	vadd.f32 v5, v1  }
0x9c: {  	v10 =	vmov s7;
	[tilespmem:s0+$0xFFFFFFC0] =	vst v7  }
0x9d: {  	[tilespmem:s0+$0xFFFFFFD0] =	vst v6  }
0x9e: {  	v5 =	vadd.f32 v5, v4;
	[tilespmem:s0+$0xFFFFFFE0] =	vst v9  }
0x9f: {  	[tilespmem:s0+$0xFFFFFFF0] =	vst v8  }
0xa0: {  	[tilespmem:s0+$0x0] =	vst v5  }
0xa1: {  	v5 =	vld.idx.msk [tilespmem:v10+s4+$0x0], $0xffff;
	_ =	sdelay $0x4  }
0xa2: {  	v2 =	vadd.f32 v5, v2  }
0xa3: {  	s16 =	sadd.s32 $0x42, s0;
	v3 =	vadd.f32 v5, v3  }
0xa4: {  	v0 =	vadd.f32 v5, v0;
	[tilespmem:s16+$0xFFFFFFC0] =	vst v2  }
0xa5: {  	v1 =	vadd.f32 v5, v1;
	[tilespmem:s16+$0xFFFFFFD0] =	vst v3  }
0xa6: {  	s5 =	sadd.s32 $0x140, s8;
	v2 =	vadd.f32 v5, v4;
	[tilespmem:s16+$0xFFFFFFE0] =	vst v0  }
0xa7: {  	[tilespmem:s16+$0xFFFFFFF0] =	vst v1;
	v1 =	vmov s5  }
0xa8: {  	[tilespmem:s16+$0x0] =	vst v2  }
0xa9: {  	v2 =	vld [tilespmem:s8+$0x640]  }
0xaa: {  	v3 =	vld [tilespmem:s8+$0x650]  }
0xab: {  	v0 =	vld [tilespmem:s8+$0x660]  }
0xac: {  	v5 =	vld.idx.msk [tilespmem:v1+s4+$0x0], $0xffff  }
0xad: {  	v1 =	vld [tilespmem:s8+$0x670]  }
0xae: {  	v4 =	vld [tilespmem:s8+$0x680];
	_ =	sdelay $0x2  }
0xaf: {  	s14 =	sadd.s32 $0x141, s8;
	s7 =	simm.s32 $0x210;
	v7 =	vadd.f32 v5, v2;
	v6 =	vadd.f32 v5, v3  }
0xb0: {  	s13 =	simm.s32 $0x0;
	s0 =	simm.s32 $0x108;
	s5 =	simm.s32 $0x141;
	v9 =	vadd.f32 v5, v0;
	v8 =	vadd.f32 v5, v1  }
.LBB2_10:
0xb1: {  	p1 =	sne.s32 s7, $0x4308;
	v10 =	vmov s14;
	[tilespmem:s13+$0x4E20] =	vst v7;
	v5 =	vadd.f32 v5, v4;
	s16 =	smov.u32 s0;
	s0 =	smov.u32 s7  }
0xb2: {  	[tilespmem:s13+$0x4E30] =	vst v6  }
0xb3: {  	[tilespmem:s13+$0x4E40] =	vst v9  }
0xb4: {  	[tilespmem:s13+$0x4E50] =	vst v8  }
0xb5: {  	[tilespmem:s13+$0x4E60] =	vst v5  }
0xb6: {  	v5 =	vld.idx.msk [tilespmem:v10+s4+$0x0], $0xffff;
	_ =	sdelay $0x2  }
.Ltmp6:
0xb7: {  	(pc) =	sbr.rel @p1 .LBB2_10-.Ltmp6, $3  }
0xb8: {  	_ =	sdelay $0x1  }
0xb9: {  	s5 =	sadd.s32 $0x1, s5;
	v7 =	vadd.f32 v5, v2;
	v6 =	vadd.f32 v5, v3  }
0xba: {  	s7 =	sadd.s32 $0x108, s7;
	s14 =	sadd.s32 s8, s5;
	s13 =	sshra.s32 s16, $0x2;
	v9 =	vadd.f32 v5, v0;
	v8 =	vadd.f32 v5, v1  }
0xbb: {  	v10 =	vmov s14;
	[tilespmem:s13+$0x4E20] =	vst v7  }
0xbc: {  	[tilespmem:s13+$0x4E30] =	vst v6  }
0xbd: {  	v5 =	vadd.f32 v5, v4;
	[tilespmem:s13+$0x4E40] =	vst v9  }
0xbe: {  	[tilespmem:s13+$0x4E50] =	vst v8  }
0xbf: {  	[tilespmem:s13+$0x4E60] =	vst v5  }
0xc0: {  	v5 =	vld.idx.msk [tilespmem:v10+s4+$0x0], $0xffff;
	_ =	sdelay $0x4  }
0xc1: {  	v2 =	vadd.f32 v5, v2  }
0xc2: {  	s0 =	sshra.s32 s0, $0x2;
	v3 =	vadd.f32 v5, v3  }
0xc3: {  	v0 =	vadd.f32 v5, v0;
	[tilespmem:s0+$0x4E20] =	vst v2  }
0xc4: {  	v1 =	vadd.f32 v5, v1;
	[tilespmem:s0+$0x4E30] =	vst v3  }
0xc5: {  	s5 =	sadd.s32 $0x190, s8;
	v2 =	vadd.f32 v5, v4;
	[tilespmem:s0+$0x4E40] =	vst v0  }
0xc6: {  	[tilespmem:s0+$0x4E50] =	vst v1;
	v1 =	vmov s5  }
0xc7: {  	[tilespmem:s0+$0x4E60] =	vst v2  }
0xc8: {  	v2 =	vld [tilespmem:s8+$0x690]  }
0xc9: {  	v3 =	vld [tilespmem:s8+$0x6A0]  }
0xca: {  	v0 =	vld [tilespmem:s8+$0x6B0]  }
0xcb: {  	v5 =	vld.idx.msk [tilespmem:v1+s4+$0x0], $0xffff  }
0xcc: {  	v1 =	vld [tilespmem:s8+$0x6C0]  }
0xcd: {  	v4 =	vld [tilespmem:s8+$0x6D0];
	_ =	sdelay $0x2  }
0xce: {  	s14 =	sadd.s32 $0x191, s8;
	s7 =	simm.s32 $0x210;
	v7 =	vadd.f32 v5, v2;
	v6 =	vadd.f32 v5, v3  }
0xcf: {  	s13 =	simm.s32 $0x0;
	s5 =	simm.s32 $0x191;
	s0 =	simm.s32 $0x108;
	v9 =	vadd.f32 v5, v0;
	v8 =	vadd.f32 v5, v1  }
.LBB2_12:
0xd0: {  	p1 =	sne.s32 s7, $0x4308;
	v10 =	vmov s14;
	[tilespmem:s13+$0x5F28] =	vst v7;
	v5 =	vadd.f32 v5, v4;
	s16 =	smov.u32 s0;
	s0 =	smov.u32 s7  }
0xd1: {  	[tilespmem:s13+$0x5F38] =	vst v6  }
0xd2: {  	[tilespmem:s13+$0x5F48] =	vst v9  }
0xd3: {  	[tilespmem:s13+$0x5F58] =	vst v8  }
0xd4: {  	[tilespmem:s13+$0x5F68] =	vst v5  }
0xd5: {  	v5 =	vld.idx.msk [tilespmem:v10+s4+$0x0], $0xffff;
	_ =	sdelay $0x2  }
.Ltmp7:
0xd6: {  	(pc) =	sbr.rel @p1 .LBB2_12-.Ltmp7, $3  }
0xd7: {  	_ =	sdelay $0x1  }
0xd8: {  	s5 =	sadd.s32 $0x1, s5;
	v7 =	vadd.f32 v5, v2;
	v6 =	vadd.f32 v5, v3  }
0xd9: {  	s7 =	sadd.s32 $0x108, s7;
	s14 =	sadd.s32 s8, s5;
	s13 =	sshra.s32 s16, $0x2;
	v9 =	vadd.f32 v5, v0;
	v8 =	vadd.f32 v5, v1  }
0xda: {  	v10 =	vmov s14;
	[tilespmem:s13+$0x5F28] =	vst v7  }
0xdb: {  	[tilespmem:s13+$0x5F38] =	vst v6  }
0xdc: {  	v5 =	vadd.f32 v5, v4;
	[tilespmem:s13+$0x5F48] =	vst v9  }
0xdd: {  	[tilespmem:s13+$0x5F58] =	vst v8  }
0xde: {  	[tilespmem:s13+$0x5F68] =	vst v5  }
0xdf: {  	v5 =	vld.idx.msk [tilespmem:v10+s4+$0x0], $0xffff;
	_ =	sdelay $0x4  }
0xe0: {  	v2 =	vadd.f32 v5, v2  }
0xe1: {  	s0 =	sshra.s32 s0, $0x2;
	v3 =	vadd.f32 v5, v3  }
0xe2: {  	v0 =	vadd.f32 v5, v0;
	[tilespmem:s0+$0x5F28] =	vst v2  }
0xe3: {  	v1 =	vadd.f32 v5, v1;
	[tilespmem:s0+$0x5F38] =	vst v3  }
0xe4: {  	s5 =	sadd.s32 $0x1E0, s8;
	v2 =	vadd.f32 v5, v4;
	[tilespmem:s0+$0x5F48] =	vst v0  }
0xe5: {  	[tilespmem:s0+$0x5F58] =	vst v1;
	v1 =	vmov s5  }
0xe6: {  	[tilespmem:s0+$0x5F68] =	vst v2  }
0xe7: {  	v2 =	vld [tilespmem:s8+$0x6E0]  }
0xe8: {  	v3 =	vld [tilespmem:s8+$0x6F0]  }
0xe9: {  	v0 =	vld [tilespmem:s8+$0x700]  }
0xea: {  	v5 =	vld.idx.msk [tilespmem:v1+s4+$0x0], $0xffff  }
0xeb: {  	v1 =	vld [tilespmem:s8+$0x710]  }
0xec: {  	v4 =	vld [tilespmem:s8+$0x720];
	_ =	sdelay $0x2  }
0xed: {  	s14 =	sadd.s32 $0x1E1, s8;
	s7 =	simm.s32 $0x210;
	v7 =	vadd.f32 v5, v2;
	v6 =	vadd.f32 v5, v3  }
0xee: {  	s13 =	simm.s32 $0x0;
	s5 =	simm.s32 $0x1E1;
	s0 =	simm.s32 $0x108;
	v9 =	vadd.f32 v5, v0;
	v8 =	vadd.f32 v5, v1  }
.LBB2_14:
0xef: {  	p1 =	sne.s32 s7, $0x4308;
	v10 =	vmov s14;
	[tilespmem:s13+$0x7030] =	vst v7;
	v5 =	vadd.f32 v5, v4;
	s16 =	smov.u32 s0;
	s0 =	smov.u32 s7  }
0xf0: {  	[tilespmem:s13+$0x7040] =	vst v6  }
0xf1: {  	[tilespmem:s13+$0x7050] =	vst v9  }
0xf2: {  	[tilespmem:s13+$0x7060] =	vst v8  }
0xf3: {  	[tilespmem:s13+$0x7070] =	vst v5  }
0xf4: {  	v5 =	vld.idx.msk [tilespmem:v10+s4+$0x0], $0xffff;
	_ =	sdelay $0x2  }
.Ltmp8:
0xf5: {  	(pc) =	sbr.rel @p1 .LBB2_14-.Ltmp8, $3  }
0xf6: {  	_ =	sdelay $0x1  }
0xf7: {  	s5 =	sadd.s32 $0x1, s5;
	v7 =	vadd.f32 v5, v2;
	v6 =	vadd.f32 v5, v3  }
0xf8: {  	s7 =	sadd.s32 $0x108, s7;
	s14 =	sadd.s32 s8, s5;
	s13 =	sshra.s32 s16, $0x2;
	v9 =	vadd.f32 v5, v0;
	v8 =	vadd.f32 v5, v1  }
0xf9: {  	v10 =	vmov s14;
	[tilespmem:s13+$0x7030] =	vst v7  }
0xfa: {  	[tilespmem:s13+$0x7040] =	vst v6  }
0xfb: {  	v5 =	vadd.f32 v5, v4;
	[tilespmem:s13+$0x7050] =	vst v9  }
0xfc: {  	[tilespmem:s13+$0x7060] =	vst v8  }
0xfd: {  	[tilespmem:s13+$0x7070] =	vst v5  }
0xfe: {  	v5 =	vld.idx.msk [tilespmem:v10+s4+$0x0], $0xffff;
	_ =	sdelay $0x4  }
0xff: {  	v2 =	vadd.f32 v5, v2  }
0x100: {  	s0 =	sshra.s32 s0, $0x2;
	v3 =	vadd.f32 v5, v3  }
0x101: {  	v0 =	vadd.f32 v5, v0;
	[tilespmem:s0+$0x7030] =	vst v2  }
0x102: {  	v1 =	vadd.f32 v5, v1;
	[tilespmem:s0+$0x7040] =	vst v3  }
0x103: {  	s5 =	sadd.s32 $0x230, s8;
	v2 =	vadd.f32 v5, v4;
	[tilespmem:s0+$0x7050] =	vst v0  }
0x104: {  	[tilespmem:s0+$0x7060] =	vst v1;
	v3 =	vmov s5  }
0x105: {  	[tilespmem:s0+$0x7070] =	vst v2  }
0x106: {  	v1 =	vld [tilespmem:s8+$0x730]  }
0x107: {  	v2 =	vld [tilespmem:s8+$0x740]  }
0x108: {  	s16 =	simm.s32 $0x0;
	v0 =	vld [tilespmem:s8+$0x750]  }
0x109: {  	v5 =	vld.idx.msk [tilespmem:v3+s16+$0x0], $0xffff  }
0x10a: {  	v3 =	vld [tilespmem:s8+$0x760]  }
0x10b: {  	v4 =	vld [tilespmem:s8+$0x770];
	_ =	sdelay $0x2  }
0x10c: {  	s14 =	sadd.s32 $0x231, s8;
	s7 =	simm.s32 $0x210;
	v7 =	vadd.f32 v5, v1;
	v6 =	vadd.f32 v5, v2  }
0x10d: {  	s13 =	simm.s32 $0x0;
	s5 =	simm.s32 $0x231;
	s0 =	simm.s32 $0x108;
	v9 =	vadd.f32 v5, v0;
	v8 =	vadd.f32 v5, v3  }
.LBB2_16:
0x10e: {  	p1 =	sne.s32 s7, $0x4308;
	v10 =	vmov s14;
	[tilespmem:s13+$0x8138] =	vst v7;
	v5 =	vadd.f32 v5, v4;
	s15 =	smov.u32 s0;
	s0 =	smov.u32 s7  }
0x10f: {  	[tilespmem:s13+$0x8148] =	vst v6  }
0x110: {  	[tilespmem:s13+$0x8158] =	vst v9  }
0x111: {  	[tilespmem:s13+$0x8168] =	vst v8  }
0x112: {  	[tilespmem:s13+$0x8178] =	vst v5  }
0x113: {  	v5 =	vld.idx.msk [tilespmem:v10+s16+$0x0], $0xffff;
	_ =	sdelay $0x2  }
.Ltmp9:
0x114: {  	(pc) =	sbr.rel @p1 .LBB2_16-.Ltmp9, $3  }
0x115: {  	_ =	sdelay $0x1  }
0x116: {  	s5 =	sadd.s32 $0x1, s5;
	v7 =	vadd.f32 v5, v1;
	v6 =	vadd.f32 v5, v2  }
0x117: {  	s7 =	sadd.s32 $0x108, s7;
	s14 =	sadd.s32 s8, s5;
	s13 =	sshra.s32 s15, $0x2;
	v9 =	vadd.f32 v5, v0;
	v8 =	vadd.f32 v5, v3  }
0x118: {  	v10 =	vmov s14;
	[tilespmem:s13+$0x8138] =	vst v7  }
0x119: {  	[tilespmem:s13+$0x8148] =	vst v6  }
0x11a: {  	v5 =	vadd.f32 v5, v4;
	[tilespmem:s13+$0x8158] =	vst v9  }
0x11b: {  	[tilespmem:s13+$0x8168] =	vst v8  }
0x11c: {  	[tilespmem:s13+$0x8178] =	vst v5  }
0x11d: {  	v5 =	vld.idx.msk [tilespmem:v10+s16+$0x0], $0xffff;
	_ =	sdelay $0x4  }
0x11e: {  	v1 =	vadd.f32 v5, v1  }
0x11f: {  	s0 =	sshra.s32 s0, $0x2;
	v2 =	vadd.f32 v5, v2  }
0x120: {  	v0 =	vadd.f32 v5, v0;
	[tilespmem:s0+$0x8138] =	vst v1  }
0x121: {  	v62 =	vadd.f32 v5, v3;
	[tilespmem:s0+$0x8148] =	vst v2  }
0x122: {  	v63 =	vadd.f32 v5, v4;
	[tilespmem:s0+$0x8158] =	vst v0  }
0x123: {  	[tilespmem:s0+$0x8168] =	vst v62  }
0x124: {  	[tilespmem:s0+$0x8178] =	vst v63  }
.LBB2_18:
0x125: {  	s0 =	sshll.u32 s16, $0x3  }
0x126: {  	s13 =	sadd.s32 s9, s0  }
0x127: {  	s0 =	sshrl.u32 s13, $0x3  }
0x128: {  	s0 =	smul.u32 $0x480, s0;
	_ =	sdelay $0x1  }
0x129: {  	s5 =	sadd.s32 s1, s0  }
0x12a: {  	[tilespmem:s17], [sflag:$0x1] =	stream.linear.gather [hbm4b:s5+s4], $0x2400, $0x38;
	[tilespmem:$0x1FA80] =	vst v63  }
0x12b: {  	s0 =	sadd.s32 s2, s0  }
0x12c: {  	[tilespmem:s18], [sflag:$0x1] =	stream.linear.gather [hbm4b:s0+s4], $0x2400, $0x38;
	[tilespmem:$0x1FA80] =	vst v63  }
0x12d: {  	_ =	swait.ge [sflag:s19], $0x2400  }
0x12e: {  	[sflag:s19] =	ssyncset.done $0x0  }
0x12f: {  	[sflag:s19] =	ssyncadd.s32 $0xFFFFDC00  }
0x130: {  	_ =	swait.ge [sflag:s19], $0x2400  }
0x131: {  	p1 =	seq.s32 s16, $0x0;
	[sflag:s19] =	ssyncset.done $0x0  }
0x132: {  	s0 =	simm.s32 @!p1 $0x2;
	[sflag:s19] =	ssyncadd.s32 $0xFFFFDC00  }
0x133: {  	_ =	swait.ge @!p1 [sflag:s0], $0x12000  }
0x134: {  	s7 =	simm.s32 $0x0;
	[sflag:s0] =	ssyncset.done @!p1 $0x0  }
0x135: {  	s14 =	simm.s32 $0x0;
	s5 =	simm.s32 $0x0;
	[sflag:s0] =	ssyncadd.s32 @!p1 $0xFFFEE000  }
.LBB2_19:
0x136: {  	s0 =	sand.u32 $0x70, s14;
	s15 =	sand.u32 $0x3C00, s7  }
0x137: {  	s0 =	sor.u32 s0, s15  }
0x138: {  	v0 =	vld [tilespmem:s0+$0x9280]  }
0x139: {  	v1 =	vld [tilespmem:s0+$0xB680]  }
0x13a: {  	v47 =	vld [tilespmem:s0+$0x9300]  }
0x13b: {  	v2 =	vld [tilespmem:s0+$0xB700]  }
0x13c: {  	v4 =	vld [tilespmem:s0+$0x9380]  }
0x13d: {  	v5 =	vld [tilespmem:s0+$0xB780]  }
0x13e: {  	v6 =	vld [tilespmem:s0+$0x9400];
	v0 =	vmul.u32 $0x42, v0  }
0x13f: {  	v15 =	vld [tilespmem:s0+$0xB800]  }
0x140: {  	v16 =	vld [tilespmem:s0+$0x9480];
	v0 =	vadd.s32 v1, v0  }
0x141: {  	v17 =	vld [tilespmem:s0+$0xB880];
	vm0 =	vgt.s32 v0, $0x0  }
0x142: {  	s12 =	sand.u32 $0x7, s5;
	v18 =	vld [tilespmem:s0+$0x9500];
	v0 =	vnsel vm0, $0x0, v0  }
0x143: {  	s15 =	sshll.u32 s12, $0x4;
	v52 =	vld [tilespmem:s0+$0xB900];
	v3 =	vmin.u32 v0, $0x1103  }
0x144: {  	s15 =	sadd.s32 s15, s7;
	v19 =	vld [tilespmem:s0+$0x9580]  }
0x145: {  	v53 =	vld [tilespmem:s0+$0xB980];
	s15 =	sor.u32 $0x380, s15  }
0x146: {  	v48 =	vld [tilespmem:s15+$0x9280];
	v7 =	vmul.u32 $0x42, v47  }
0x147: {  	v49 =	vld [tilespmem:s15+$0xB680]  }
0x148: {  	v2 =	vadd.s32 v2, v7;
	v50 =	vld.idx.msk [tilespmem:v3+s20+$0x0], $0xffff  }
0x149: {  	vm9 =	vgt.s32 v2, $0x0;
	v8 =	vld.idx.msk [tilespmem:v3+s21+$0x0], $0xffff  }
0x14a: {  	v2 =	vnsel vm9, $0x0, v2;
	v9 =	vld.idx.msk [tilespmem:v3+s22+$0x0], $0xffff  }
0x14b: {  	v2 =	vmin.u32 v2, $0x1103;
	v10 =	vld.idx.msk [tilespmem:v3+s23+$0x0], $0xffff  }
0x14c: {  	v11 =	vld.idx.msk [tilespmem:v3+s24+$0x0], $0xffff  }
0x14d: {  	v12 =	vld.idx.msk [tilespmem:v3+s25+$0x0], $0xffff  }
0x14e: {  	v4 =	vmul.u32 $0x42, v4;
	v13 =	vld.idx.msk [tilespmem:v3+s26+$0x0], $0xffff  }
0x14f: {  	v3 =	vld.idx.msk [tilespmem:v3+s28+$0x0], $0xffff  }
0x150: {  	v4 =	vadd.s32 v5, v4;
	v14 =	vld.idx.msk [tilespmem:v2+s20+$0x0], $0xffff;
	[tilespmem:s0+$0xDA80] =	vst v50  }
0x151: {  	vm10 =	vgt.s32 v4, $0x0;
	v7 =	vld.idx.msk [tilespmem:v2+s21+$0x0], $0xffff;
	[tilespmem:s0+$0xDB00] =	vst v8  }
0x152: {  	v4 =	vnsel vm10, $0x0, v4;
	v8 =	vld.idx.msk [tilespmem:v2+s22+$0x0], $0xffff;
	[tilespmem:s0+$0xDB80] =	vst v9  }
0x153: {  	v4 =	vmin.u32 v4, $0x1103;
	v9 =	vld.idx.msk [tilespmem:v2+s23+$0x0], $0xffff;
	[tilespmem:s0+$0xDC00] =	vst v10  }
0x154: {  	v51 =	vld.idx.msk [tilespmem:v2+s24+$0x0], $0xffff;
	[tilespmem:s0+$0xDC80] =	vst v11  }
0x155: {  	v11 =	vld.idx.msk [tilespmem:v2+s25+$0x0], $0xffff;
	[tilespmem:s0+$0xDD00] =	vst v12  }
0x156: {  	v6 =	vmul.u32 $0x42, v6;
	v12 =	vld.idx.msk [tilespmem:v2+s26+$0x0], $0xffff;
	[tilespmem:s0+$0xDD80] =	vst v13  }
0x157: {  	v2 =	vld.idx.msk [tilespmem:v2+s28+$0x0], $0xffff;
	[tilespmem:s15+$0xDA80] =	vst v3  }
0x158: {  	v6 =	vadd.s32 v15, v6;
	v3 =	vld.idx.msk [tilespmem:v4+s20+$0x0], $0xffff;
	[tilespmem:s0+$0xFE80] =	vst v14  }
0x159: {  	vm11 =	vgt.s32 v6, $0x0;
	v14 =	vld.idx.msk [tilespmem:v4+s21+$0x0], $0xffff;
	[tilespmem:s0+$0xFF00] =	vst v7  }
0x15a: {  	v54 =	vnsel vm11, $0x0, v6;
	v7 =	vld.idx.msk [tilespmem:v4+s22+$0x0], $0xffff;
	[tilespmem:s0+$0xFF80] =	vst v8  }
0x15b: {  	v5 =	vmin.u32 v54, $0x1103;
	v8 =	vld.idx.msk [tilespmem:v4+s23+$0x0], $0xffff;
	[tilespmem:s0+$0x10000] =	vst v9  }
0x15c: {  	v9 =	vld.idx.msk [tilespmem:v4+s24+$0x0], $0xffff;
	[tilespmem:s0+$0x10080] =	vst v51  }
0x15d: {  	v55 =	vld.idx.msk [tilespmem:v4+s25+$0x0], $0xffff;
	[tilespmem:s0+$0x10100] =	vst v11  }
0x15e: {  	v11 =	vld.idx.msk [tilespmem:v4+s26+$0x0], $0xffff;
	[tilespmem:s0+$0x10180] =	vst v12  }
0x15f: {  	v4 =	vld.idx.msk [tilespmem:v4+s28+$0x0], $0xffff;
	[tilespmem:s0+$0x10200] =	vst v2  }
0x160: {  	v56 =	vmul.u32 $0x42, v16;
	v2 =	vld.idx.msk [tilespmem:v5+s20+$0x0], $0xffff;
	[tilespmem:s0+$0x12280] =	vst v3  }
0x161: {  	v3 =	vld.idx.msk [tilespmem:v5+s21+$0x0], $0xffff;
	[tilespmem:s0+$0x12300] =	vst v14  }
0x162: {  	v12 =	vld.idx.msk [tilespmem:v5+s22+$0x0], $0xffff;
	[tilespmem:s0+$0x12380] =	vst v7;
	v7 =	vadd.s32 v17, v56  }
0x163: {  	vm12 =	vgt.s32 v7, $0x0  }
0x164: {  	v7 =	vnsel vm12, $0x0, v7  }
0x165: {  	v14 =	vld.idx.msk [tilespmem:v5+s23+$0x0], $0xffff;
	[tilespmem:s0+$0x12400] =	vst v8;
	v7 =	vmin.u32 v7, $0x1103  }
0x166: {  	v8 =	vld.idx.msk [tilespmem:v5+s24+$0x0], $0xffff;
	[tilespmem:s0+$0x12480] =	vst v9  }
0x167: {  	v9 =	vld.idx.msk [tilespmem:v5+s25+$0x0], $0xffff;
	[tilespmem:s0+$0x12500] =	vst v55  }
0x168: {  	v6 =	vld.idx.msk [tilespmem:v5+s26+$0x0], $0xffff;
	[tilespmem:s0+$0x12580] =	vst v11  }
0x169: {  	v57 =	vmul.u32 $0x42, v18;
	v5 =	vld.idx.msk [tilespmem:v5+s28+$0x0], $0xffff;
	[tilespmem:s0+$0x12600] =	vst v4  }
0x16a: {  	v4 =	vld.idx.msk [tilespmem:v7+s20+$0x0], $0xffff;
	[tilespmem:s0+$0x14680] =	vst v2  }
0x16b: {  	v10 =	vadd.s32 v52, v57;
	v2 =	vld.idx.msk [tilespmem:v7+s21+$0x0], $0xffff;
	[tilespmem:s0+$0x14700] =	vst v3  }
0x16c: {  	vm13 =	vgt.s32 v10, $0x0;
	v3 =	vld.idx.msk [tilespmem:v7+s22+$0x0], $0xffff;
	[tilespmem:s0+$0x14780] =	vst v12  }
0x16d: {  	v59 =	vnsel vm13, $0x0, v10;
	v12 =	vld.idx.msk [tilespmem:v7+s23+$0x0], $0xffff;
	[tilespmem:s0+$0x14800] =	vst v14  }
0x16e: {  	v58 =	vld.idx.msk [tilespmem:v7+s24+$0x0], $0xffff;
	[tilespmem:s0+$0x14880] =	vst v8;
	v8 =	vmin.u32 v59, $0x1103;
	_ =	sdelay $0x1  }
0x16f: {  	v60 =	vld.idx.msk [tilespmem:v7+s25+$0x0], $0xffff;
	[tilespmem:s0+$0x14900] =	vst v9  }
0x170: {  	v9 =	vld.idx.msk [tilespmem:v7+s26+$0x0], $0xffff;
	[tilespmem:s0+$0x14980] =	vst v6  }
0x171: {  	v6 =	vld.idx.msk [tilespmem:v7+s28+$0x0], $0xffff;
	[tilespmem:s0+$0x14A00] =	vst v5  }
0x172: {  	v61 =	vmul.u32 $0x42, v19;
	v5 =	vld.idx.msk [tilespmem:v8+s20+$0x0], $0xffff;
	[tilespmem:s0+$0x16A80] =	vst v4  }
0x173: {  	v4 =	vld.idx.msk [tilespmem:v8+s21+$0x0], $0xffff;
	[tilespmem:s0+$0x16B00] =	vst v2  }
0x174: {  	v2 =	vld.idx.msk [tilespmem:v8+s22+$0x0], $0xffff;
	[tilespmem:s0+$0x16B80] =	vst v3;
	v3 =	vadd.s32 v53, v61  }
0x175: {  	vm14 =	vgt.s32 v3, $0x0  }
0x176: {  	v3 =	vnsel vm14, $0x0, v3  }
0x177: {  	v62 =	vld.idx.msk [tilespmem:v8+s23+$0x0], $0xffff;
	[tilespmem:s0+$0x16C00] =	vst v12;
	v3 =	vmin.u32 v3, $0x1103  }
0x178: {  	v12 =	vld.idx.msk [tilespmem:v8+s24+$0x0], $0xffff;
	[tilespmem:s0+$0x16C80] =	vst v58  }
0x179: {  	v11 =	vld.idx.msk [tilespmem:v8+s25+$0x0], $0xffff;
	[tilespmem:s0+$0x16D00] =	vst v60  }
0x17a: {  	v1 =	vmul.u32 $0x42, v48;
	v10 =	vld.idx.msk [tilespmem:v8+s26+$0x0], $0xffff;
	[tilespmem:s0+$0x16D80] =	vst v9  }
0x17b: {  	v8 =	vld.idx.msk [tilespmem:v8+s28+$0x0], $0xffff;
	[tilespmem:s0+$0x16E00] =	vst v6  }
0x17c: {  	v0 =	vadd.s32 v49, v1;
	v6 =	vld.idx.msk [tilespmem:v3+s20+$0x0], $0xffff;
	[tilespmem:s0+$0x18E80] =	vst v5  }
0x17d: {  	vm15 =	vgt.s32 v0, $0x0;
	v5 =	vld.idx.msk [tilespmem:v3+s21+$0x0], $0xffff;
	[tilespmem:s0+$0x18F00] =	vst v4  }
0x17e: {  	v0 =	vnsel vm15, $0x0, v0;
	v4 =	vld.idx.msk [tilespmem:v3+s22+$0x0], $0xffff;
	[tilespmem:s0+$0x18F80] =	vst v2  }
0x17f: {  	v0 =	vmin.u32 v0, $0x1103;
	v2 =	vld.idx.msk [tilespmem:v3+s23+$0x0], $0xffff;
	[tilespmem:s0+$0x19000] =	vst v62  }
0x180: {  	v63 =	vld.idx.msk [tilespmem:v3+s24+$0x0], $0xffff;
	[tilespmem:s0+$0x19080] =	vst v12  }
0x181: {  	v7 =	vld.idx.msk [tilespmem:v3+s25+$0x0], $0xffff;
	[tilespmem:s0+$0x19100] =	vst v11  }
0x182: {  	v9 =	vld.idx.msk [tilespmem:v3+s26+$0x0], $0xffff;
	[tilespmem:s0+$0x19180] =	vst v10  }
0x183: {  	v3 =	vld.idx.msk [tilespmem:v3+s28+$0x0], $0xffff;
	[tilespmem:s0+$0x19200] =	vst v8  }
0x184: {  	v8 =	vld.idx.msk [tilespmem:v0+s20+$0x0], $0xffff;
	[tilespmem:s0+$0x1B280] =	vst v6  }
0x185: {  	v6 =	vld.idx.msk [tilespmem:v0+s21+$0x0], $0xffff;
	[tilespmem:s0+$0x1B300] =	vst v5  }
0x186: {  	v5 =	vld.idx.msk [tilespmem:v0+s22+$0x0], $0xffff;
	[tilespmem:s0+$0x1B380] =	vst v4  }
0x187: {  	v4 =	vld.idx.msk [tilespmem:v0+s23+$0x0], $0xffff;
	[tilespmem:s0+$0x1B400] =	vst v2  }
0x188: {  	v2 =	vld.idx.msk [tilespmem:v0+s24+$0x0], $0xffff;
	[tilespmem:s0+$0x1B480] =	vst v63  }
0x189: {  	v1 =	vld.idx.msk [tilespmem:v0+s25+$0x0], $0xffff;
	[tilespmem:s0+$0x1B500] =	vst v7  }
0x18a: {  	v7 =	vld.idx.msk [tilespmem:v0+s26+$0x0], $0xffff;
	[tilespmem:s0+$0x1B580] =	vst v9  }
0x18b: {  	v0 =	vld.idx.msk [tilespmem:v0+s28+$0x0], $0xffff;
	[tilespmem:s0+$0x1B600] =	vst v3  }
0x18c: {  	[tilespmem:s0+$0x1D680] =	vst v8  }
0x18d: {  	[tilespmem:s0+$0x1D700] =	vst v6  }
0x18e: {  	p1 =	sne.s32 s14, $0x470;
	[tilespmem:s0+$0x1D780] =	vst v5  }
.Ltmp10:
0x18f: {  	[tilespmem:s0+$0x1D800] =	vst v4;
	(pc) =	sbr.rel @p1 .LBB2_19-.Ltmp10, $4  }
0x190: {  	[tilespmem:s0+$0x1D880] =	vst v2  }
0x191: {  	[tilespmem:s0+$0x1D900] =	vst v1  }
0x192: {  	[tilespmem:s0+$0x1D980] =	vst v7  }
0x193: {  	s5 =	sadd.s32 $0x1, s5;
	s14 =	sadd.s32 $0x10, s14;
	s7 =	sadd.s32 $0x80, s7;
	[tilespmem:s0+$0x1DA00] =	vst v0  }
0x194: {  	s16 =	sadd.s32 $0x1, s16  }
0x195: {  	s0 =	smul.u32 $0x4800, s13;
	p1 =	sne.s32 s16, $0x8  }
.Ltmp11:
0x196: {  	_ = 	snop;
	(pc) =	sbr.rel @p1 .LBB2_18-.Ltmp11, $4  }
0x197: {  	s0 =	sor.u32 s10, s0  }
0x198: {  	s0 =	sshrl.u32 s0, $0x3  }
0x199: {  	s0 =	sadd.s32 s3, s0  }
0x19a: {  	[hbm4b:s0+s29] =	stream.strided.scatter [tilespmem:s31], [sflag:$0x2], $0x12000, s30, s29, $0x38;
	[tilespmem:$0x1FA80] =	vst v63  }
.Ltmp12:
0x19b: {  	(pc) =	sbr.rel @p0 .LBB2_25-.Ltmp12, $4  }
0x19c: {  	s0 =	simm.s32 $0x2  }
0x19d: {  	_ =	swait.ge [sflag:s0], $0x12000  }
0x19e: {  	[sflag:s0] =	ssyncset.done $0x0  }
0x19f: {  	[sflag:s0] =	ssyncadd.s32 $0xFFFEE000  }
0x1a0: {  	s0 =	simm.s32 $0x0;
	s7 =	rddreg [dreg:$0x6]  }
0x1a1: {  	[tilespmem:s17], [sflag:$0x1] =	stream.linear.gather [hbm4b:s7+s0], $0x80, $0x38;
	[tilespmem:$0x1FA80] =	vst v63  }
0x1a2: {  	s16 =	simm.s32 $0x9680;
	s5 =	sadd.s32 $0x80, s7  }
0x1a3: {  	[tilespmem:s16], [sflag:$0x1] =	stream.linear.gather [hbm4b:s5+s0], $0x80, $0x38;
	[tilespmem:$0x1FA80] =	vst v63  }
0x1a4: {  	s14 =	simm.s32 $0x9A80;
	s13 =	sadd.s32 $0x100, s7  }
0x1a5: {  	[tilespmem:s14], [sflag:$0x1] =	stream.linear.gather [hbm4b:s13+s0], $0x80, $0x38;
	[tilespmem:$0x1FA80] =	vst v63  }
0x1a6: {  	s15 =	sadd.s32 $0x180, s7;
	s16 =	simm.s32 $0x9E80  }
0x1a7: {  	[tilespmem:s16], [sflag:$0x1] =	stream.linear.gather [hbm4b:s15+s0], $0x80, $0x38;
	[tilespmem:$0x1FA80] =	vst v63  }
0x1a8: {  	s13 =	sadd.s32 $0x200, s7;
	s14 =	simm.s32 $0xA280  }
0x1a9: {  	[tilespmem:s14], [sflag:$0x1] =	stream.linear.gather [hbm4b:s13+s0], $0x80, $0x38;
	[tilespmem:$0x1FA80] =	vst v63  }
0x1aa: {  	s15 =	sadd.s32 $0x280, s7;
	s16 =	simm.s32 $0xA680  }
0x1ab: {  	[tilespmem:s16], [sflag:$0x1] =	stream.linear.gather [hbm4b:s15+s0], $0x80, $0x38;
	[tilespmem:$0x1FA80] =	vst v63  }
0x1ac: {  	s13 =	sadd.s32 $0x300, s7;
	s14 =	simm.s32 $0xAA80  }
0x1ad: {  	[tilespmem:s14], [sflag:$0x1] =	stream.linear.gather [hbm4b:s13+s0], $0x80, $0x38;
	[tilespmem:$0x1FA80] =	vst v63  }
0x1ae: {  	s15 =	sadd.s32 $0x380, s7;
	s16 =	simm.s32 $0xAE80  }
0x1af: {  	[tilespmem:s16], [sflag:$0x1] =	stream.linear.gather [hbm4b:s15+s0], $0x80, $0x38;
	[tilespmem:$0x1FA80] =	vst v63  }
0x1b0: {  	s13 =	sadd.s32 $0x400, s7;
	s14 =	simm.s32 $0xB280  }
0x1b1: {  	[tilespmem:s14], [sflag:$0x1] =	stream.linear.gather [hbm4b:s13+s0], $0x80, $0x38;
	[tilespmem:$0x1FA80] =	vst v63  }
0x1b2: {  	s7 =	rddreg [dreg:$0x7]  }
0x1b3: {  	[tilespmem:s18], [sflag:$0x1] =	stream.linear.gather [hbm4b:s7+s0], $0x80, $0x38;
	[tilespmem:$0x1FA80] =	vst v63  }
0x1b4: {  	s15 =	sadd.s32 $0x80, s7;
	s16 =	simm.s32 $0xBA80  }
0x1b5: {  	[tilespmem:s16], [sflag:$0x1] =	stream.linear.gather [hbm4b:s15+s0], $0x80, $0x38;
	[tilespmem:$0x1FA80] =	vst v63  }
0x1b6: {  	s13 =	sadd.s32 $0x100, s7;
	s14 =	simm.s32 $0xBE80  }
0x1b7: {  	[tilespmem:s14], [sflag:$0x1] =	stream.linear.gather [hbm4b:s13+s0], $0x80, $0x38;
	[tilespmem:$0x1FA80] =	vst v63  }
0x1b8: {  	s15 =	sadd.s32 $0x180, s7;
	s16 =	simm.s32 $0xC280  }
0x1b9: {  	[tilespmem:s16], [sflag:$0x1] =	stream.linear.gather [hbm4b:s15+s0], $0x80, $0x38;
	[tilespmem:$0x1FA80] =	vst v63  }
0x1ba: {  	s13 =	sadd.s32 $0x200, s7;
	s14 =	simm.s32 $0xC680  }
0x1bb: {  	[tilespmem:s14], [sflag:$0x1] =	stream.linear.gather [hbm4b:s13+s0], $0x80, $0x38;
	[tilespmem:$0x1FA80] =	vst v63  }
0x1bc: {  	s15 =	sadd.s32 $0x280, s7;
	s16 =	simm.s32 $0xCA80  }
0x1bd: {  	[tilespmem:s16], [sflag:$0x1] =	stream.linear.gather [hbm4b:s15+s0], $0x80, $0x38;
	[tilespmem:$0x1FA80] =	vst v63  }
0x1be: {  	s13 =	sadd.s32 $0x300, s7;
	s14 =	simm.s32 $0xCE80  }
0x1bf: {  	[tilespmem:s14], [sflag:$0x1] =	stream.linear.gather [hbm4b:s13+s0], $0x80, $0x38;
	[tilespmem:$0x1FA80] =	vst v63  }
0x1c0: {  	s15 =	sadd.s32 $0x380, s7;
	s16 =	simm.s32 $0xD280  }
0x1c1: {  	[tilespmem:s16], [sflag:$0x1] =	stream.linear.gather [hbm4b:s15+s0], $0x80, $0x38;
	[tilespmem:$0x1FA80] =	vst v63  }
0x1c2: {  	s12 =	smov.u32 s11;
	s11 =	sadd.s32 $0x400, s7;
	s13 =	simm.s32 $0xD680  }
0x1c3: {  	[tilespmem:s13], [sflag:$0x1] =	stream.linear.gather [hbm4b:s11+s0], $0x80, $0x38;
	[tilespmem:$0x1FA80] =	vst v63  }
0x1c4: {  	_ =	swait.ge [sflag:s19], $0x480  }
0x1c5: {  	[sflag:s19] =	ssyncset.done $0x0  }
0x1c6: {  	[sflag:s19] =	ssyncadd.s32 $0xFFFFFB80  }
0x1c7: {  	_ =	swait.ge [sflag:s19], $0x480  }
0x1c8: {  	s14 =	sand.u32 $0x70, s0;
	s15 =	sand.u32 $0x3C00, s0;
	[sflag:s19] =	ssyncset.done $0x0  }
0x1c9: {  	s5 =	sor.u32 s14, s15;
	[sflag:s19] =	ssyncadd.s32 $0xFFFFFB80  }
0x1ca: {  	v0 =	vld [tilespmem:s5+$0x9280];
	_ =	sdelay $0x1  }
0x1cb: {  	v1 =	vld [tilespmem:s5+$0xB680];
	_ =	sdelay $0x2  }
0x1cc: {  	v0 =	vmul.u32 $0x42, v0;
	_ =	sdelay $0x1  }
0x1cd: {  	v0 =	vadd.s32 v1, v0  }
0x1ce: {  	vm0 =	vgt.s32 v0, $0x0  }
0x1cf: {  	v0 =	vnsel vm0, $0x0, v0  }
0x1d0: {  	v3 =	vmin.u32 v0, $0x1103;
	_ =	sdelay $0x4  }
0x1d1: {  	v0 =	vld.idx.msk [tilespmem:v3+s28+$0x0], $0xffff  }
0x1d2: {  	v1 =	vld.idx.msk [tilespmem:v3+s26+$0x0], $0xffff  }
0x1d3: {  	v7 =	vld.idx.msk [tilespmem:v3+s25+$0x0], $0xffff  }
0x1d4: {  	v5 =	vld.idx.msk [tilespmem:v3+s23+$0x0], $0xffff  }
0x1d5: {  	s16 =	sand.u32 $0x7, s0;
	v6 =	vld.idx.msk [tilespmem:v3+s24+$0x0], $0xffff  }
0x1d6: {  	s7 =	sshll.u32 s16, $0x4;
	v4 =	vld.idx.msk [tilespmem:v3+s20+$0x0], $0xffff  }
0x1d7: {  	s14 =	simm.s32 $0x0;
	s13 =	simm.s32 $0x10;
	s7 =	sadd.s32 $0x0, s7;
	v2 =	vld.idx.msk [tilespmem:v3+s22+$0x0], $0xffff  }
.LBB2_23:
0x1d8: {  	p1 =	sne.s32 s13, $0x470;
	v3 =	vld.idx.msk [tilespmem:v3+s21+$0x0], $0xffff;
	s0 =	sadd.s32 $0x80, s0;
	s14 =	sadd.s32 $0x1, s14  }
0x1d9: {  	s16 =	smov.u32 s13;
	s13 =	sadd.s32 $0x10, s13;
	s15 =	sand.u32 $0x7, s14;
	[tilespmem:s5+$0xDD00] =	vst v7  }
0x1da: {  	s15 =	sshll.u32 s15, $0x4;
	[tilespmem:s5+$0xDC00] =	vst v5  }
0x1db: {  	s15 =	sadd.s32 s15, s0;
	[tilespmem:s5+$0xDC80] =	vst v6  }
0x1dc: {  	[tilespmem:s5+$0xDD80] =	vst v1  }
0x1dd: {  	[tilespmem:s5+$0xDA80] =	vst v4  }
0x1de: {  	s11 =	sor.u32 $0x380, s7;
	s7 =	smov.u32 s15;
	[tilespmem:s5+$0xDB00] =	vst v3  }
0x1df: {  	s15 =	sand.u32 $0x70, s16;
	s16 =	sand.u32 $0x3C00, s0;
	[tilespmem:s5+$0xDB80] =	vst v2  }
0x1e0: {  	s5 =	sor.u32 s15, s16;
	[tilespmem:s11+$0xDA80] =	vst v0  }
0x1e1: {  	v0 =	vld [tilespmem:s5+$0x9280];
	_ =	sdelay $0x1  }
0x1e2: {  	v1 =	vld [tilespmem:s5+$0xB680];
	_ =	sdelay $0x2  }
0x1e3: {  	v0 =	vmul.u32 $0x42, v0;
	_ =	sdelay $0x1  }
0x1e4: {  	v0 =	vadd.s32 v1, v0  }
0x1e5: {  	vm0 =	vgt.s32 v0, $0x0  }
0x1e6: {  	v0 =	vnsel vm0, $0x0, v0  }
0x1e7: {  	v3 =	vmin.u32 v0, $0x1103;
	_ =	sdelay $0x4  }
0x1e8: {  	v0 =	vld.idx.msk [tilespmem:v3+s28+$0x0], $0xffff  }
0x1e9: {  	v1 =	vld.idx.msk [tilespmem:v3+s26+$0x0], $0xffff  }
.Ltmp13:
0x1ea: {  	v7 =	vld.idx.msk [tilespmem:v3+s25+$0x0], $0xffff;
	(pc) =	sbr.rel @p1 .LBB2_23-.Ltmp13, $4  }
0x1eb: {  	v5 =	vld.idx.msk [tilespmem:v3+s23+$0x0], $0xffff  }
0x1ec: {  	v6 =	vld.idx.msk [tilespmem:v3+s24+$0x0], $0xffff  }
0x1ed: {  	v4 =	vld.idx.msk [tilespmem:v3+s20+$0x0], $0xffff  }
0x1ee: {  	v2 =	vld.idx.msk [tilespmem:v3+s22+$0x0], $0xffff  }
.Ltmp14:
0x1ef: {  	_ = 	snop;
	(pc) =	sbr.rel .LBB2_24-.Ltmp14, $1  }
0x1f0: {  	_ =	sdelay $0x3  }
.LBB2_26:
0x1f1: {  	_ =	sfence.sel $0x180000  }
0x1f2: {  	[bflag:$0x0] =	sbarrier.arrive $0xFFFF  }
0x1f3: {  	_ =	strace $0x90000047  }
0x1f4: {  	s0 =	stileid.u32;
	[bflag:$0x2] =	sbarrier.arrive $0xFFFF  }
0x1f5: {  	p0 =	sne.s32 s0, $0x0;
	s0 =	rddreg [dreg:$0x4]  }
0x1f6: {  	s0 =	sadd.s32 @!p0 $0x100000, s0  }
0x1f7: {  	[sflag:s0] =	ssyncadd.tile.s32 @!p0 $0x1;
	_ =	shalt  }
.Lfunc_end2:
_tile_overlayer_lowered:
.L_overlay_start_2:
0x1f8: {  	(tag) =	ssettag $0x2  }
0x1f9: {  	s0 =	rddreg [dreg:$0x0];
	s2 =	stileid.u32  }
0x1fa: {  	s1 =	rddreg [dreg:$0x1];
	p0 =	sne.s32 s2, $0x0  }
0x1fb: {  	s3 =	rddreg [dreg:$0x2];
	[bflag:$0x3] =	sbarrier.arrive $0xFFFF;
	s2 =	simm.s32 @!p0 $0x1C03  }
0x1fc: {  	[timem:s3], [sflag:s2] =	dma.local @!p0 [hbm:s0], s1  }
0x1fd: {  	s0 =	simm.s32 @!p0 $0x3  }
0x1fe: {  	_ =	swait.ge @!p0 [sflag:s0], s1  }
0x1ff: {  	s1 =	ssub.s32 @!p0 $0x0, s1;
	[sflag:s0] =	ssyncset.done @!p0 $0x0  }
0x200: {  	[sflag:s0] =	ssyncadd.s32 @!p0 s1  }
0x201: {  	[bflag:$0x3] =	sbarrier.arrive $0xFFFF  }
0x202: {  	_ =	shalt  }

</sc_bundles>
